<compile_context>
chip_gen: v7x
topology: tpu7x:2x2x1
jax: 0.10.2.dev20260603
libtpu: 0.0.44.dev20260713+nightly
codegen_flags: <defaults>
</compile_context>

<pallas_src>
import functools

import jax
import jax.numpy as jnp
from jax import lax
from jax.experimental import pallas as pl
from jax.experimental.pallas import tpu as pltpu
from jax.experimental.pallas import tpu_sc as plsc

_NUM_E = 8192
_DIM = 32
_ROWS = 16 * 1024
_RB = 512
_GRID = _ROWS // _RB
_N_ELEM = float(_ROWS * _DIM)
_W = 4096
_T = 128

_NC, _NS = 2, 16
_NW = _NC * _NS
_BW = _ROWS // _NW
_CH = 128
_NCH = _BW // _CH


def _argmin_body(f2_ref, e2_ref, flat_ref, emb_ref, idx_ref, loss_ref,
                 acc_ref):
    i = pl.program_id(0)

    @pl.when(i == 0)
    def _init():
        acc_ref[...] = jnp.zeros_like(acc_ref)

    flat2 = 2.0 * flat_ref[...]
    f2 = f2_ref[...]
    lane = lax.broadcasted_iota(jnp.int32, (_RB, _T), 1)

    acc_v = jnp.full((_RB, 1), jnp.inf, jnp.float32)
    acc_raw = jnp.full((_RB, 1), jnp.inf, jnp.float32)
    acc_i = jnp.zeros((_RB, 1), jnp.int32)
    for w in range(_NUM_E // _W):
        av = jnp.full((_RB, _T), jnp.inf, jnp.float32)
        at = jnp.zeros((_RB, _T), jnp.int32)
        for t in range(w * (_W // _T), (w + 1) * (_W // _T)):
            mmt = lax.dot_general(
                flat2, emb_ref[pl.ds(t * _T, _T), :],
                (((1,), (1,)), ((), ())),
                preferred_element_type=jnp.float32)
            dt = (f2 + e2_ref[:, pl.ds(t * _T, _T)]) - mmt
            m = dt < av
            av = jnp.minimum(av, dt)
            at = jnp.where(m, t, at)
        cols = lane + at * _T
        bmin = jnp.min(av, axis=1, keepdims=True)
        bidx = jnp.min(jnp.where(av == bmin, cols, _NUM_E), axis=1,
                       keepdims=True)
        keep = (acc_v < bmin) | ((acc_v == bmin) & (acc_i < bidx))
        acc_i = jnp.where(keep, acc_i, bidx)
        acc_raw = jnp.where(keep, acc_raw, bmin)
        acc_v = jnp.where(keep, acc_v, bmin).astype(jnp.bfloat16).astype(
            jnp.float32)

    idx_ref[...] = acc_i.reshape(1, _NCH, _CH)
    acc_ref[...] += acc_raw

    @pl.when(i == _GRID - 1)
    def _fini():
        mean = jnp.sum(acc_ref[...]) / _N_ELEM
        loss_ref[...] = jnp.reshape(mean + 0.25 * mean, (1, 1))


def _sc_gather_body(emb_hbm, idx_hbm, q_hbm, cnt_hbm,
                    idx_v, rows_v, ones_v, zero_v, hist_sh, sem):
    cid = lax.axis_index("c")
    sid = lax.axis_index("s")
    wid = sid * _NC + cid
    pltpu.sync_copy(idx_hbm.at[wid], idx_v)

    @pl.when(sid == 0)
    def _zero_hist():
        zeros16 = jnp.zeros((16,), jnp.float32)

        def _zero(k, carry):
            zero_v[pl.ds(k * 16, 16)] = zeros16
            return carry
        lax.fori_loop(0, _NUM_E // 16, _zero, 0)
        pltpu.sync_copy(zero_v, hist_sh)

    ones16 = jnp.ones((16,), jnp.float32)
    for k in range(_CH // 16):
        ones_v[pl.ds(k * 16, 16)] = ones16

    plsc.subcore_barrier()

    for j in range(_NCH):
        pltpu.async_copy(emb_hbm.at[idx_v.at[j]], rows_v, sem).wait()
        pltpu.sync_copy(rows_v, q_hbm.at[pl.ds(wid * _BW + j * _CH, _CH)])
        pltpu.sync_copy(ones_v, hist_sh.at[idx_v.at[j]], add=True)

    plsc.subcore_barrier()

    @pl.when(sid == 0)
    def _emit_hist():
        pltpu.sync_copy(hist_sh, cnt_hbm.at[cid])


def _finish_body(q_ref, flat_ref, part_ref, qst_ref, cnt_ref, perp_ref):
    q = q_ref[...]
    flat = flat_ref[...]
    qst_ref[...] = flat + (q - flat)
    cnt = jnp.sum(part_ref[...], axis=0, keepdims=True)
    cnt_ref[...] = cnt
    p = cnt / float(_ROWS)
    ent = jnp.sum(p * jnp.log(p + 1e-10), keepdims=True)
    perp_ref[...] = jnp.exp(-jnp.reshape(ent, (1, 1)))


def kernel(inputs, embedding):
    flat = inputs.reshape(-1, _DIM)
    f2 = jnp.sum(flat ** 2, axis=1, keepdims=True)
    e2 = jnp.sum(embedding ** 2, axis=1)[None, :]

    idx, loss = pl.pallas_call(
        _argmin_body,
        grid=(_GRID,),
        in_specs=[
            pl.BlockSpec((_RB, 1), lambda i: (i, 0)),
            pl.BlockSpec((1, _NUM_E), lambda i: (0, 0)),
            pl.BlockSpec((_RB, _DIM), lambda i: (i, 0)),
            pl.BlockSpec((_NUM_E, _DIM), lambda i: (0, 0)),
        ],
        out_specs=[
            pl.BlockSpec((1, _NCH, _CH), lambda i: (i, 0, 0)),
            pl.BlockSpec((1, 1), lambda i: (0, 0)),
        ],
        out_shape=[
            jax.ShapeDtypeStruct((_NW, _NCH, _CH), jnp.int32),
            jax.ShapeDtypeStruct((1, 1), jnp.float32),
        ],
        scratch_shapes=[pltpu.VMEM((_RB, 1), jnp.float32)],
        compiler_params=pltpu.CompilerParams(
            dimension_semantics=("arbitrary",)),
    )(f2, e2, flat, embedding)

    sc_gather = functools.partial(
        pl.kernel,
        mesh=plsc.VectorSubcoreMesh(core_axis_name="c", subcore_axis_name="s"),
        out_type=[
            jax.ShapeDtypeStruct((_ROWS, _DIM), jnp.float32),
            jax.ShapeDtypeStruct((_NC, _NUM_E), jnp.float32),
        ],
        scratch_types=[
            pltpu.VMEM((_NCH, _CH), jnp.int32),
            pltpu.VMEM((_CH, _DIM), jnp.float32),
            pltpu.VMEM((_CH,), jnp.float32),
            pltpu.VMEM((_NUM_E,), jnp.float32),
            pltpu.VMEM_SHARED((_NUM_E,), jnp.float32),
            pltpu.SemaphoreType.DMA,
        ],
        compiler_params=pltpu.CompilerParams(use_tc_tiling_on_sc=False),
    )(_sc_gather_body)
    q_raw, cnt_part = sc_gather(embedding, idx)

    qst, cnt, perp = pl.pallas_call(
        _finish_body,
        in_specs=[
            pl.BlockSpec((_ROWS, _DIM), lambda: (0, 0)),
            pl.BlockSpec((_ROWS, _DIM), lambda: (0, 0)),
            pl.BlockSpec((_NC, _NUM_E), lambda: (0, 0)),
        ],
        out_specs=[
            pl.BlockSpec((_ROWS, _DIM), lambda: (0, 0)),
            pl.BlockSpec((1, _NUM_E), lambda: (0, 0)),
            pl.BlockSpec((1, 1), lambda: (0, 0)),
        ],
        out_shape=[
            jax.ShapeDtypeStruct((_ROWS, _DIM), jnp.float32),
            jax.ShapeDtypeStruct((1, _NUM_E), jnp.float32),
            jax.ShapeDtypeStruct((1, 1), jnp.float32),
        ],
    )(q_raw, flat, cnt_part)

    return (loss[0, 0], qst.reshape(inputs.shape), cnt.reshape(_NUM_E),
            embedding, perp[0, 0])

# --- scband reference (transcript-rebuilt; emitter-appended) ---
"""Pipeline reference for scband-vector-quantizer-10024453669316 (READ-ONLY COPY).

The authoritative reference and input builder live on the scoring server;
editing this copy changes nothing except your own understanding.
"""

import jax, jax.numpy as jnp
import numpy as np

NUM_EMBEDDINGS = 8192
EMBEDDING_DIM = 32
COMMITMENT_COST = 0.25
BATCH = 16
TOKENS = 1024


def setup_inputs(seed: int = 0) -> dict:
    key = jax.random.key(seed)
    k1, k2 = jax.random.split(key)
    inputs = jax.random.normal(k1, (BATCH, TOKENS, EMBEDDING_DIM), dtype=jnp.float32)
    embedding = jax.random.normal(k2, (NUM_EMBEDDINGS, EMBEDDING_DIM), dtype=jnp.float32) * 0.02
    return {"inputs": inputs, "embedding": embedding}


def _quantizer(inputs, embedding):
    # Standard VQ-VAE quantizer: nearest-neighbor codebook lookup with
    # straight-through estimator. Returns (quantized, loss, encoding_indices,
    # encodings_sum, embedding) matching the torch quantizer contract.
    flat = inputs.reshape(-1, EMBEDDING_DIM)
    distances = (
        jnp.sum(flat ** 2, axis=1, keepdims=True)
        + jnp.sum(embedding ** 2, axis=1)[None, :]
        - 2.0 * flat @ embedding.T
    )
    encoding_indices = jnp.argmin(distances, axis=1)
    quantized = jnp.take(embedding, encoding_indices, axis=0).reshape(inputs.shape)
    e_latent_loss = jnp.mean((jax.lax.stop_gradient(quantized) - inputs) ** 2)
    q_latent_loss = jnp.mean((quantized - jax.lax.stop_gradient(inputs)) ** 2)
    loss = q_latent_loss + COMMITMENT_COST * e_latent_loss
    quantized_st = inputs + jax.lax.stop_gradient(quantized - inputs)
    encodings_sum = jnp.bincount(encoding_indices, length=NUM_EMBEDDINGS).astype(jnp.float32)
    return quantized_st, loss, encoding_indices, encodings_sum, embedding


def reference(inputs, embedding):
    quantized, loss, encoding_indices, encodings_sum, embedding = _quantizer(inputs, embedding)
    # Wrapper logic: torch.histc over indices with `bins=num_embeddings` ->
    # jnp.bincount with length=num_embeddings, then perplexity.
    avg_probs = (
        jnp.bincount(encoding_indices, length=NUM_EMBEDDINGS).astype(jnp.float32)
        / encoding_indices.size
    )
    perplexity = jnp.exp(-jnp.sum(avg_probs * jnp.log(avg_probs + 1e-10)))
    # Torch wrapper returns (loss, quantized, encodings_sum, embedding);
    # perplexity is stashed as an attribute -- returned here to keep it live.
    return (loss, quantized, encodings_sum, embedding, perplexity)

if __name__ == "__main__":
    import jax
    _d = setup_inputs()
    print(jax.jit(kernel)(*tuple(_d.values())))

</pallas_src>

<mosaic_0001>
#map = affine_map<(d0, d1) -> (0, 0)>
#map1 = affine_map<(d0, d1) -> (0, 0, 0)>
module attributes {stable_mosaic.version = 14 : i64} {
  func.func @_sc_gather_body(%arg0: i32, %arg1: i32, %arg2: memref<8192x32xf32, #tpu.memory_space<hbm>>, %arg3: memref<32x4x128xi32, #tpu.memory_space<hbm>>, %arg4: memref<16384x32xf32, #tpu.memory_space<hbm>>, %arg5: memref<2x8192xf32, #tpu.memory_space<hbm>>, %arg6: memref<4x128xi32, #tpu.memory_space<vmem>>, %arg7: memref<128x32xf32, #tpu.memory_space<vmem>>, %arg8: memref<128xf32, #tpu.memory_space<vmem>>, %arg9: memref<8192xf32, #tpu.memory_space<vmem>>, %arg10: memref<8192xf32, #tpu.memory_space<vmem_shared>>, %arg11: memref<!tpu.dma_semaphore, #tpu.memory_space<semaphore_mem>>) attributes {dimension_semantics = [#tpu.dimension_semantics<core_parallel>, #tpu.dimension_semantics<subcore_parallel>], iteration_bounds = array<i64: 2, 16>, scalar_prefetch = 0 : i64, scratch_operands = 6 : i64, tpu.core_type = #tpu.core_type<sc_vector_subcore>, window_params = [{transform_indices = #map}, {transform_indices = #map1}, {transform_indices = #map}, {transform_indices = #map}]} {
    %mul3A = arith.constant 2 : i32
    %mul3A_0 = arith.muli %arg1, %mul3A : i32
    %add3A = arith.addi %mul3A_0, %arg0 : i32
    "tpu.region"() ({
      %run_scoped3A_114 = tpu.sem_alloc : memref<!tpu.dma_semaphore, #tpu.memory_space<semaphore_mem>>
      %dma_start3A_115 = arith.constant 0 : i32
      %dma_start3A_116 = arith.constant 0 : i32
      %dma_start3A_117 = tpu.memref_slice %arg3[%add3A, %dma_start3A_115, %dma_start3A_116] : memref<32x4x128xi32, #tpu.memory_space<hbm>> -> memref<1x4x128xi32, #tpu.memory_space<hbm>>
      %dma_start3A_118 = tpu.memref_squeeze %dma_start3A_117 : memref<1x4x128xi32, #tpu.memory_space<hbm>> -> memref<4x128xi32, #tpu.memory_space<hbm>>
      %dma_start3A_119 = arith.constant 0 : i32
      %dma_start3A_120 = arith.constant 0 : i32
      %dma_start3A_121 = tpu.memref_slice %arg3[%add3A, %dma_start3A_119, %dma_start3A_120] : memref<32x4x128xi32, #tpu.memory_space<hbm>> -> memref<1x4x128xi32, #tpu.memory_space<hbm>>
      %dma_start3A_122 = tpu.memref_squeeze %dma_start3A_121 : memref<1x4x128xi32, #tpu.memory_space<hbm>> -> memref<4x128xi32, #tpu.memory_space<hbm>>
      tpu.enqueue_dma source(%dma_start3A_122 : memref<4x128xi32, #tpu.memory_space<hbm>>) target(%arg6 : memref<4x128xi32, #tpu.memory_space<vmem>>) target_semaphore(%run_scoped3A_114 : memref<!tpu.dma_semaphore, #tpu.memory_space<semaphore_mem>>)
      %dma_wait3A_123 = arith.constant 0 : i32
      %dma_wait3A_124 = arith.constant 0 : i32
      %dma_wait3A_125 = tpu.memref_slice %arg3[%add3A, %dma_wait3A_123, %dma_wait3A_124] : memref<32x4x128xi32, #tpu.memory_space<hbm>> -> memref<1x4x128xi32, #tpu.memory_space<hbm>>
      %dma_wait3A_126 = tpu.memref_squeeze %dma_wait3A_125 : memref<1x4x128xi32, #tpu.memory_space<hbm>> -> memref<4x128xi32, #tpu.memory_space<hbm>>
      %dma_wait3A_127 = arith.constant 0 : i32
      %dma_wait3A_128 = arith.constant 0 : i32
      %dma_wait3A_129 = tpu.memref_slice %arg3[%add3A, %dma_wait3A_127, %dma_wait3A_128] : memref<32x4x128xi32, #tpu.memory_space<hbm>> -> memref<1x4x128xi32, #tpu.memory_space<hbm>>
      %dma_wait3A_130 = tpu.memref_squeeze %dma_wait3A_129 : memref<1x4x128xi32, #tpu.memory_space<hbm>> -> memref<4x128xi32, #tpu.memory_space<hbm>>
      tpu.wait_dma2 semaphore(%run_scoped3A_114 : memref<!tpu.dma_semaphore, #tpu.memory_space<semaphore_mem>>) src(%dma_wait3A_130 : memref<4x128xi32, #tpu.memory_space<hbm>>) dst(%arg6 : memref<4x128xi32, #tpu.memory_space<vmem>>)
      tpu.yield
    }) : () -> ()
    %eq3A = arith.constant 0 : i32
    %eq3A_1 = arith.cmpi eq, %arg1, %eq3A : i32
    %convert_element_type3A = arith.extui %eq3A_1 : i1 to i32
    %cond3A = arith.constant 0 : i32
    %cond3A_2 = arith.cmpi ne, %convert_element_type3A, %cond3A : i32
    scf.if %cond3A_2 {
      %broadcast_in_dim3A_114 = arith.constant 0.000000e+00 : f32
      %broadcast_in_dim3A_115 = vector.broadcast %broadcast_in_dim3A_114 : f32 to vector<16xf32>
      %scan3A = arith.constant 0 : i32
      %scan3A_116 = arith.constant 0 : i32
      %scan3A_117 = arith.constant 512 : i32
      %scan3A_118 = arith.addi %scan3A_116, %scan3A_117 : i32
      %scan3A_119 = arith.constant 1 : i32
      scf.for %scan3A_121 = %scan3A_116 to %scan3A_118 step %scan3A_119  : i32 {
        %mul3A_122 = arith.constant 16 : i32
        %mul3A_123 = arith.muli %scan3A_121, %mul3A_122 : i32
        %swap3A_124 = arith.index_cast %mul3A_123 : i32 to index
        %swap3A_125 = tpu.vector_load %arg9[%swap3A_124] {strides = array<i32>} : memref<8192xf32, #tpu.memory_space<vmem>>, vector<16xf32>,
        %swap3A_126 = vector.shape_cast %swap3A_125 : vector<16xf32> to vector<16xf32>
        %swap3A_127 = vector.shape_cast %broadcast_in_dim3A_115 : vector<16xf32> to vector<16xf32>
        tpu.vector_store %arg9[%swap3A_124], %swap3A_127 {strides = array<i32>} : memref<8192xf32, #tpu.memory_space<vmem>>, vector<16xf32>,
      }
      %scan3A_120 = arith.constant 512 : i32
      "tpu.region"() ({
        %run_scoped3A_121 = tpu.sem_alloc : memref<!tpu.dma_semaphore, #tpu.memory_space<semaphore_mem>>
        tpu.enqueue_dma source(%arg9 : memref<8192xf32, #tpu.memory_space<vmem>>) target(%arg10 : memref<8192xf32, #tpu.memory_space<vmem_shared>>) target_semaphore(%run_scoped3A_121 : memref<!tpu.dma_semaphore, #tpu.memory_space<semaphore_mem>>)
        tpu.wait_dma2 semaphore(%run_scoped3A_121 : memref<!tpu.dma_semaphore, #tpu.memory_space<semaphore_mem>>) src(%arg9 : memref<8192xf32, #tpu.memory_space<vmem>>) dst(%arg10 : memref<8192xf32, #tpu.memory_space<vmem_shared>>)
        tpu.yield
      }) : () -> ()
    } else {
    }
    %broadcast_in_dim3A = arith.constant 1.000000e+00 : f32
    %broadcast_in_dim3A_3 = vector.broadcast %broadcast_in_dim3A : f32 to vector<16xf32>
    %swap3A = arith.constant 0 : index
    %swap3A_4 = tpu.vector_load %arg8[%swap3A] {strides = array<i32>} : memref<128xf32, #tpu.memory_space<vmem>>, vector<16xf32>,
    %swap3A_5 = vector.shape_cast %swap3A_4 : vector<16xf32> to vector<16xf32>
    %swap3A_6 = vector.shape_cast %broadcast_in_dim3A_3 : vector<16xf32> to vector<16xf32>
    tpu.vector_store %arg8[%swap3A], %swap3A_6 {strides = array<i32>} : memref<128xf32, #tpu.memory_space<vmem>>, vector<16xf32>,
    %swap3A_7 = arith.constant 16 : index
    %swap3A_8 = tpu.vector_load %arg8[%swap3A_7] {strides = array<i32>} : memref<128xf32, #tpu.memory_space<vmem>>, vector<16xf32>,
    %swap3A_9 = vector.shape_cast %swap3A_8 : vector<16xf32> to vector<16xf32>
    %swap3A_10 = vector.shape_cast %broadcast_in_dim3A_3 : vector<16xf32> to vector<16xf32>
    tpu.vector_store %arg8[%swap3A_7], %swap3A_10 {strides = array<i32>} : memref<128xf32, #tpu.memory_space<vmem>>, vector<16xf32>,
    %swap3A_11 = arith.constant 32 : index
    %swap3A_12 = tpu.vector_load %arg8[%swap3A_11] {strides = array<i32>} : memref<128xf32, #tpu.memory_space<vmem>>, vector<16xf32>,
    %swap3A_13 = vector.shape_cast %swap3A_12 : vector<16xf32> to vector<16xf32>
    %swap3A_14 = vector.shape_cast %broadcast_in_dim3A_3 : vector<16xf32> to vector<16xf32>
    tpu.vector_store %arg8[%swap3A_11], %swap3A_14 {strides = array<i32>} : memref<128xf32, #tpu.memory_space<vmem>>, vector<16xf32>,
    %swap3A_15 = arith.constant 48 : index
    %swap3A_16 = tpu.vector_load %arg8[%swap3A_15] {strides = array<i32>} : memref<128xf32, #tpu.memory_space<vmem>>, vector<16xf32>,
    %swap3A_17 = vector.shape_cast %swap3A_16 : vector<16xf32> to vector<16xf32>
    %swap3A_18 = vector.shape_cast %broadcast_in_dim3A_3 : vector<16xf32> to vector<16xf32>
    tpu.vector_store %arg8[%swap3A_15], %swap3A_18 {strides = array<i32>} : memref<128xf32, #tpu.memory_space<vmem>>, vector<16xf32>,
    %swap3A_19 = arith.constant 64 : index
    %swap3A_20 = tpu.vector_load %arg8[%swap3A_19] {strides = array<i32>} : memref<128xf32, #tpu.memory_space<vmem>>, vector<16xf32>,
    %swap3A_21 = vector.shape_cast %swap3A_20 : vector<16xf32> to vector<16xf32>
    %swap3A_22 = vector.shape_cast %broadcast_in_dim3A_3 : vector<16xf32> to vector<16xf32>
    tpu.vector_store %arg8[%swap3A_19], %swap3A_22 {strides = array<i32>} : memref<128xf32, #tpu.memory_space<vmem>>, vector<16xf32>,
    %swap3A_23 = arith.constant 80 : index
    %swap3A_24 = tpu.vector_load %arg8[%swap3A_23] {strides = array<i32>} : memref<128xf32, #tpu.memory_space<vmem>>, vector<16xf32>,
    %swap3A_25 = vector.shape_cast %swap3A_24 : vector<16xf32> to vector<16xf32>
    %swap3A_26 = vector.shape_cast %broadcast_in_dim3A_3 : vector<16xf32> to vector<16xf32>
    tpu.vector_store %arg8[%swap3A_23], %swap3A_26 {strides = array<i32>} : memref<128xf32, #tpu.memory_space<vmem>>, vector<16xf32>,
    %swap3A_27 = arith.constant 96 : index
    %swap3A_28 = tpu.vector_load %arg8[%swap3A_27] {strides = array<i32>} : memref<128xf32, #tpu.memory_space<vmem>>, vector<16xf32>,
    %swap3A_29 = vector.shape_cast %swap3A_28 : vector<16xf32> to vector<16xf32>
    %swap3A_30 = vector.shape_cast %broadcast_in_dim3A_3 : vector<16xf32> to vector<16xf32>
    tpu.vector_store %arg8[%swap3A_27], %swap3A_30 {strides = array<i32>} : memref<128xf32, #tpu.memory_space<vmem>>, vector<16xf32>,
    %swap3A_31 = arith.constant 112 : index
    %swap3A_32 = tpu.vector_load %arg8[%swap3A_31] {strides = array<i32>} : memref<128xf32, #tpu.memory_space<vmem>>, vector<16xf32>,
    %swap3A_33 = vector.shape_cast %swap3A_32 : vector<16xf32> to vector<16xf32>
    %swap3A_34 = vector.shape_cast %broadcast_in_dim3A_3 : vector<16xf32> to vector<16xf32>
    tpu.vector_store %arg8[%swap3A_31], %swap3A_34 {strides = array<i32>} : memref<128xf32, #tpu.memory_space<vmem>>, vector<16xf32>,
    %barrier3A = arith.constant 0 : index
    tpu.barrier barrier_id(%barrier3A)
    %dma_start3A = arith.constant 0 : i32
    %dma_start3A_35 = arith.constant 0 : i32
    %dma_start3A_36 = tpu.memref_slice %arg6[%dma_start3A, %dma_start3A_35] : memref<4x128xi32, #tpu.memory_space<vmem>> -> memref<1x128xi32, #tpu.memory_space<vmem>>
    %dma_start3A_37 = tpu.memref_squeeze %dma_start3A_36 : memref<1x128xi32, #tpu.memory_space<vmem>> -> memref<128xi32, #tpu.memory_space<vmem>>
    %dma_start3A_38 = arith.constant 0 : i32
    %dma_start3A_39 = arith.constant 0 : i32
    %dma_start3A_40 = tpu.memref_slice %arg2[%dma_start3A_38, %dma_start3A_39] : memref<8192x32xf32, #tpu.memory_space<hbm>> -> memref<8192x32xf32, #tpu.memory_space<hbm>>
    tpu.enqueue_indirect_dma source(%dma_start3A_40 : memref<8192x32xf32, #tpu.memory_space<hbm>>) target(%arg7 : memref<128x32xf32, #tpu.memory_space<vmem>>) offsets(%dma_start3A_37 : memref<128xi32, #tpu.memory_space<vmem>>) semaphore(%arg11 : memref<!tpu.dma_semaphore, #tpu.memory_space<semaphore_mem>>)
    %dma_wait3A = arith.constant 0 : i32
    %dma_wait3A_41 = arith.constant 0 : i32
    %dma_wait3A_42 = tpu.memref_slice %arg6[%dma_wait3A, %dma_wait3A_41] : memref<4x128xi32, #tpu.memory_space<vmem>> -> memref<1x128xi32, #tpu.memory_space<vmem>>
    %dma_wait3A_43 = tpu.memref_squeeze %dma_wait3A_42 : memref<1x128xi32, #tpu.memory_space<vmem>> -> memref<128xi32, #tpu.memory_space<vmem>>
    %dma_wait3A_44 = arith.constant 0 : i32
    %dma_wait3A_45 = arith.constant 0 : i32
    %dma_wait3A_46 = tpu.memref_slice %arg2[%dma_wait3A_44, %dma_wait3A_45] : memref<8192x32xf32, #tpu.memory_space<hbm>> -> memref<8192x32xf32, #tpu.memory_space<hbm>>
    tpu.wait_indirect_dma semaphore(%arg11 : memref<!tpu.dma_semaphore, #tpu.memory_space<semaphore_mem>>) src(%dma_wait3A_46 : memref<8192x32xf32, #tpu.memory_space<hbm>>) dst(%arg7 : memref<128x32xf32, #tpu.memory_space<vmem>>)
    %mul3A_47 = arith.constant 512 : i32
    %mul3A_48 = arith.muli %add3A, %mul3A_47 : i32
    %add3A_49 = arith.constant 0 : i32
    %add3A_50 = arith.addi %mul3A_48, %add3A_49 : i32
    "tpu.region"() ({
      %run_scoped3A_114 = tpu.sem_alloc : memref<!tpu.dma_semaphore, #tpu.memory_space<semaphore_mem>>
      %dma_start3A_115 = arith.constant 0 : i32
      %dma_start3A_116 = tpu.memref_slice %arg4[%add3A_50, %dma_start3A_115] : memref<16384x32xf32, #tpu.memory_space<hbm>> -> memref<128x32xf32, #tpu.memory_space<hbm>>
      %dma_start3A_117 = arith.constant 0 : i32
      %dma_start3A_118 = tpu.memref_slice %arg4[%add3A_50, %dma_start3A_117] : memref<16384x32xf32, #tpu.memory_space<hbm>> -> memref<128x32xf32, #tpu.memory_space<hbm>>
      tpu.enqueue_dma source(%arg7 : memref<128x32xf32, #tpu.memory_space<vmem>>) target(%dma_start3A_118 : memref<128x32xf32, #tpu.memory_space<hbm>>) target_semaphore(%run_scoped3A_114 : memref<!tpu.dma_semaphore, #tpu.memory_space<semaphore_mem>>)
      %dma_wait3A_119 = arith.constant 0 : i32
      %dma_wait3A_120 = tpu.memref_slice %arg4[%add3A_50, %dma_wait3A_119] : memref<16384x32xf32, #tpu.memory_space<hbm>> -> memref<128x32xf32, #tpu.memory_space<hbm>>
      %dma_wait3A_121 = arith.constant 0 : i32
      %dma_wait3A_122 = tpu.memref_slice %arg4[%add3A_50, %dma_wait3A_121] : memref<16384x32xf32, #tpu.memory_space<hbm>> -> memref<128x32xf32, #tpu.memory_space<hbm>>
      tpu.wait_dma2 semaphore(%run_scoped3A_114 : memref<!tpu.dma_semaphore, #tpu.memory_space<semaphore_mem>>) src(%arg7 : memref<128x32xf32, #tpu.memory_space<vmem>>) dst(%dma_wait3A_122 : memref<128x32xf32, #tpu.memory_space<hbm>>)
      tpu.yield
    }) : () -> ()
    %run_scoped3A = arith.constant 0 : i32
    "tpu.region"() ({
      %run_scoped3A_114 = tpu.sem_alloc : memref<!tpu.dma_semaphore, #tpu.memory_space<semaphore_mem>>
      %dma_start3A_115 = arith.constant 0 : i32
      %dma_start3A_116 = tpu.memref_slice %arg6[%run_scoped3A, %dma_start3A_115] : memref<4x128xi32, #tpu.memory_space<vmem>> -> memref<1x128xi32, #tpu.memory_space<vmem>>
      %dma_start3A_117 = tpu.memref_squeeze %dma_start3A_116 : memref<1x128xi32, #tpu.memory_space<vmem>> -> memref<128xi32, #tpu.memory_space<vmem>>
      %dma_start3A_118 = arith.constant 0 : i32
      %dma_start3A_119 = tpu.memref_slice %arg10[%dma_start3A_118] : memref<8192xf32, #tpu.memory_space<vmem_shared>> -> memref<8192xf32, #tpu.memory_space<vmem_shared>>
      tpu.enqueue_indirect_dma source(%arg8 : memref<128xf32, #tpu.memory_space<vmem>>) target(%dma_start3A_119 : memref<8192xf32, #tpu.memory_space<vmem_shared>>) offsets(%dma_start3A_117 : memref<128xi32, #tpu.memory_space<vmem>>) semaphore(%run_scoped3A_114 : memref<!tpu.dma_semaphore, #tpu.memory_space<semaphore_mem>>) {add = true}
      %dma_wait3A_120 = arith.constant 0 : i32
      %dma_wait3A_121 = tpu.memref_slice %arg6[%run_scoped3A, %dma_wait3A_120] : memref<4x128xi32, #tpu.memory_space<vmem>> -> memref<1x128xi32, #tpu.memory_space<vmem>>
      %dma_wait3A_122 = tpu.memref_squeeze %dma_wait3A_121 : memref<1x128xi32, #tpu.memory_space<vmem>> -> memref<128xi32, #tpu.memory_space<vmem>>
      %dma_wait3A_123 = arith.constant 0 : i32
      %dma_wait3A_124 = tpu.memref_slice %arg10[%dma_wait3A_123] : memref<8192xf32, #tpu.memory_space<vmem_shared>> -> memref<8192xf32, #tpu.memory_space<vmem_shared>>
      tpu.wait_indirect_dma semaphore(%run_scoped3A_114 : memref<!tpu.dma_semaphore, #tpu.memory_space<semaphore_mem>>) src(%arg8 : memref<128xf32, #tpu.memory_space<vmem>>) dst(%dma_wait3A_124 : memref<8192xf32, #tpu.memory_space<vmem_shared>>)
      tpu.yield
    }) : () -> ()
    %dma_start3A_51 = arith.constant 1 : i32
    %dma_start3A_52 = arith.constant 0 : i32
    %dma_start3A_53 = tpu.memref_slice %arg6[%dma_start3A_51, %dma_start3A_52] : memref<4x128xi32, #tpu.memory_space<vmem>> -> memref<1x128xi32, #tpu.memory_space<vmem>>
    %dma_start3A_54 = tpu.memref_squeeze %dma_start3A_53 : memref<1x128xi32, #tpu.memory_space<vmem>> -> memref<128xi32, #tpu.memory_space<vmem>>
    %dma_start3A_55 = arith.constant 0 : i32
    %dma_start3A_56 = arith.constant 0 : i32
    %dma_start3A_57 = tpu.memref_slice %arg2[%dma_start3A_55, %dma_start3A_56] : memref<8192x32xf32, #tpu.memory_space<hbm>> -> memref<8192x32xf32, #tpu.memory_space<hbm>>
    tpu.enqueue_indirect_dma source(%dma_start3A_57 : memref<8192x32xf32, #tpu.memory_space<hbm>>) target(%arg7 : memref<128x32xf32, #tpu.memory_space<vmem>>) offsets(%dma_start3A_54 : memref<128xi32, #tpu.memory_space<vmem>>) semaphore(%arg11 : memref<!tpu.dma_semaphore, #tpu.memory_space<semaphore_mem>>)
    %dma_wait3A_58 = arith.constant 1 : i32
    %dma_wait3A_59 = arith.constant 0 : i32
    %dma_wait3A_60 = tpu.memref_slice %arg6[%dma_wait3A_58, %dma_wait3A_59] : memref<4x128xi32, #tpu.memory_space<vmem>> -> memref<1x128xi32, #tpu.memory_space<vmem>>
    %dma_wait3A_61 = tpu.memref_squeeze %dma_wait3A_60 : memref<1x128xi32, #tpu.memory_space<vmem>> -> memref<128xi32, #tpu.memory_space<vmem>>
    %dma_wait3A_62 = arith.constant 0 : i32
    %dma_wait3A_63 = arith.constant 0 : i32
    %dma_wait3A_64 = tpu.memref_slice %arg2[%dma_wait3A_62, %dma_wait3A_63] : memref<8192x32xf32, #tpu.memory_space<hbm>> -> memref<8192x32xf32, #tpu.memory_space<hbm>>
    tpu.wait_indirect_dma semaphore(%arg11 : memref<!tpu.dma_semaphore, #tpu.memory_space<semaphore_mem>>) src(%dma_wait3A_64 : memref<8192x32xf32, #tpu.memory_space<hbm>>) dst(%arg7 : memref<128x32xf32, #tpu.memory_space<vmem>>)
    %mul3A_65 = arith.constant 512 : i32
    %mul3A_66 = arith.muli %add3A, %mul3A_65 : i32
    %add3A_67 = arith.constant 128 : i32
    %add3A_68 = arith.addi %mul3A_66, %add3A_67 : i32
    "tpu.region"() ({
      %run_scoped3A_114 = tpu.sem_alloc : memref<!tpu.dma_semaphore, #tpu.memory_space<semaphore_mem>>
      %dma_start3A_115 = arith.constant 0 : i32
      %dma_start3A_116 = tpu.memref_slice %arg4[%add3A_68, %dma_start3A_115] : memref<16384x32xf32, #tpu.memory_space<hbm>> -> memref<128x32xf32, #tpu.memory_space<hbm>>
      %dma_start3A_117 = arith.constant 0 : i32
      %dma_start3A_118 = tpu.memref_slice %arg4[%add3A_68, %dma_start3A_117] : memref<16384x32xf32, #tpu.memory_space<hbm>> -> memref<128x32xf32, #tpu.memory_space<hbm>>
      tpu.enqueue_dma source(%arg7 : memref<128x32xf32, #tpu.memory_space<vmem>>) target(%dma_start3A_118 : memref<128x32xf32, #tpu.memory_space<hbm>>) target_semaphore(%run_scoped3A_114 : memref<!tpu.dma_semaphore, #tpu.memory_space<semaphore_mem>>)
      %dma_wait3A_119 = arith.constant 0 : i32
      %dma_wait3A_120 = tpu.memref_slice %arg4[%add3A_68, %dma_wait3A_119] : memref<16384x32xf32, #tpu.memory_space<hbm>> -> memref<128x32xf32, #tpu.memory_space<hbm>>
      %dma_wait3A_121 = arith.constant 0 : i32
      %dma_wait3A_122 = tpu.memref_slice %arg4[%add3A_68, %dma_wait3A_121] : memref<16384x32xf32, #tpu.memory_space<hbm>> -> memref<128x32xf32, #tpu.memory_space<hbm>>
      tpu.wait_dma2 semaphore(%run_scoped3A_114 : memref<!tpu.dma_semaphore, #tpu.memory_space<semaphore_mem>>) src(%arg7 : memref<128x32xf32, #tpu.memory_space<vmem>>) dst(%dma_wait3A_122 : memref<128x32xf32, #tpu.memory_space<hbm>>)
      tpu.yield
    }) : () -> ()
    %run_scoped3A_69 = arith.constant 1 : i32
    "tpu.region"() ({
      %run_scoped3A_114 = tpu.sem_alloc : memref<!tpu.dma_semaphore, #tpu.memory_space<semaphore_mem>>
      %dma_start3A_115 = arith.constant 0 : i32
      %dma_start3A_116 = tpu.memref_slice %arg6[%run_scoped3A_69, %dma_start3A_115] : memref<4x128xi32, #tpu.memory_space<vmem>> -> memref<1x128xi32, #tpu.memory_space<vmem>>
      %dma_start3A_117 = tpu.memref_squeeze %dma_start3A_116 : memref<1x128xi32, #tpu.memory_space<vmem>> -> memref<128xi32, #tpu.memory_space<vmem>>
      %dma_start3A_118 = arith.constant 0 : i32
      %dma_start3A_119 = tpu.memref_slice %arg10[%dma_start3A_118] : memref<8192xf32, #tpu.memory_space<vmem_shared>> -> memref<8192xf32, #tpu.memory_space<vmem_shared>>
      tpu.enqueue_indirect_dma source(%arg8 : memref<128xf32, #tpu.memory_space<vmem>>) target(%dma_start3A_119 : memref<8192xf32, #tpu.memory_space<vmem_shared>>) offsets(%dma_start3A_117 : memref<128xi32, #tpu.memory_space<vmem>>) semaphore(%run_scoped3A_114 : memref<!tpu.dma_semaphore, #tpu.memory_space<semaphore_mem>>) {add = true}
      %dma_wait3A_120 = arith.constant 0 : i32
      %dma_wait3A_121 = tpu.memref_slice %arg6[%run_scoped3A_69, %dma_wait3A_120] : memref<4x128xi32, #tpu.memory_space<vmem>> -> memref<1x128xi32, #tpu.memory_space<vmem>>
      %dma_wait3A_122 = tpu.memref_squeeze %dma_wait3A_121 : memref<1x128xi32, #tpu.memory_space<vmem>> -> memref<128xi32, #tpu.memory_space<vmem>>
      %dma_wait3A_123 = arith.constant 0 : i32
      %dma_wait3A_124 = tpu.memref_slice %arg10[%dma_wait3A_123] : memref<8192xf32, #tpu.memory_space<vmem_shared>> -> memref<8192xf32, #tpu.memory_space<vmem_shared>>
      tpu.wait_indirect_dma semaphore(%run_scoped3A_114 : memref<!tpu.dma_semaphore, #tpu.memory_space<semaphore_mem>>) src(%arg8 : memref<128xf32, #tpu.memory_space<vmem>>) dst(%dma_wait3A_124 : memref<8192xf32, #tpu.memory_space<vmem_shared>>)
      tpu.yield
    }) : () -> ()
    %dma_start3A_70 = arith.constant 2 : i32
    %dma_start3A_71 = arith.constant 0 : i32
    %dma_start3A_72 = tpu.memref_slice %arg6[%dma_start3A_70, %dma_start3A_71] : memref<4x128xi32, #tpu.memory_space<vmem>> -> memref<1x128xi32, #tpu.memory_space<vmem>>
    %dma_start3A_73 = tpu.memref_squeeze %dma_start3A_72 : memref<1x128xi32, #tpu.memory_space<vmem>> -> memref<128xi32, #tpu.memory_space<vmem>>
    %dma_start3A_74 = arith.constant 0 : i32
    %dma_start3A_75 = arith.constant 0 : i32
    %dma_start3A_76 = tpu.memref_slice %arg2[%dma_start3A_74, %dma_start3A_75] : memref<8192x32xf32, #tpu.memory_space<hbm>> -> memref<8192x32xf32, #tpu.memory_space<hbm>>
    tpu.enqueue_indirect_dma source(%dma_start3A_76 : memref<8192x32xf32, #tpu.memory_space<hbm>>) target(%arg7 : memref<128x32xf32, #tpu.memory_space<vmem>>) offsets(%dma_start3A_73 : memref<128xi32, #tpu.memory_space<vmem>>) semaphore(%arg11 : memref<!tpu.dma_semaphore, #tpu.memory_space<semaphore_mem>>)
    %dma_wait3A_77 = arith.constant 2 : i32
    %dma_wait3A_78 = arith.constant 0 : i32
    %dma_wait3A_79 = tpu.memref_slice %arg6[%dma_wait3A_77, %dma_wait3A_78] : memref<4x128xi32, #tpu.memory_space<vmem>> -> memref<1x128xi32, #tpu.memory_space<vmem>>
    %dma_wait3A_80 = tpu.memref_squeeze %dma_wait3A_79 : memref<1x128xi32, #tpu.memory_space<vmem>> -> memref<128xi32, #tpu.memory_space<vmem>>
    %dma_wait3A_81 = arith.constant 0 : i32
    %dma_wait3A_82 = arith.constant 0 : i32
    %dma_wait3A_83 = tpu.memref_slice %arg2[%dma_wait3A_81, %dma_wait3A_82] : memref<8192x32xf32, #tpu.memory_space<hbm>> -> memref<8192x32xf32, #tpu.memory_space<hbm>>
    tpu.wait_indirect_dma semaphore(%arg11 : memref<!tpu.dma_semaphore, #tpu.memory_space<semaphore_mem>>) src(%dma_wait3A_83 : memref<8192x32xf32, #tpu.memory_space<hbm>>) dst(%arg7 : memref<128x32xf32, #tpu.memory_space<vmem>>)
    %mul3A_84 = arith.constant 512 : i32
    %mul3A_85 = arith.muli %add3A, %mul3A_84 : i32
    %add3A_86 = arith.constant 256 : i32
    %add3A_87 = arith.addi %mul3A_85, %add3A_86 : i32
    "tpu.region"() ({
      %run_scoped3A_114 = tpu.sem_alloc : memref<!tpu.dma_semaphore, #tpu.memory_space<semaphore_mem>>
      %dma_start3A_115 = arith.constant 0 : i32
      %dma_start3A_116 = tpu.memref_slice %arg4[%add3A_87, %dma_start3A_115] : memref<16384x32xf32, #tpu.memory_space<hbm>> -> memref<128x32xf32, #tpu.memory_space<hbm>>
      %dma_start3A_117 = arith.constant 0 : i32
      %dma_start3A_118 = tpu.memref_slice %arg4[%add3A_87, %dma_start3A_117] : memref<16384x32xf32, #tpu.memory_space<hbm>> -> memref<128x32xf32, #tpu.memory_space<hbm>>
      tpu.enqueue_dma source(%arg7 : memref<128x32xf32, #tpu.memory_space<vmem>>) target(%dma_start3A_118 : memref<128x32xf32, #tpu.memory_space<hbm>>) target_semaphore(%run_scoped3A_114 : memref<!tpu.dma_semaphore, #tpu.memory_space<semaphore_mem>>)
      %dma_wait3A_119 = arith.constant 0 : i32
      %dma_wait3A_120 = tpu.memref_slice %arg4[%add3A_87, %dma_wait3A_119] : memref<16384x32xf32, #tpu.memory_space<hbm>> -> memref<128x32xf32, #tpu.memory_space<hbm>>
      %dma_wait3A_121 = arith.constant 0 : i32
      %dma_wait3A_122 = tpu.memref_slice %arg4[%add3A_87, %dma_wait3A_121] : memref<16384x32xf32, #tpu.memory_space<hbm>> -> memref<128x32xf32, #tpu.memory_space<hbm>>
      tpu.wait_dma2 semaphore(%run_scoped3A_114 : memref<!tpu.dma_semaphore, #tpu.memory_space<semaphore_mem>>) src(%arg7 : memref<128x32xf32, #tpu.memory_space<vmem>>) dst(%dma_wait3A_122 : memref<128x32xf32, #tpu.memory_space<hbm>>)
      tpu.yield
    }) : () -> ()
    %run_scoped3A_88 = arith.constant 2 : i32
    "tpu.region"() ({
      %run_scoped3A_114 = tpu.sem_alloc : memref<!tpu.dma_semaphore, #tpu.memory_space<semaphore_mem>>
      %dma_start3A_115 = arith.constant 0 : i32
      %dma_start3A_116 = tpu.memref_slice %arg6[%run_scoped3A_88, %dma_start3A_115] : memref<4x128xi32, #tpu.memory_space<vmem>> -> memref<1x128xi32, #tpu.memory_space<vmem>>
      %dma_start3A_117 = tpu.memref_squeeze %dma_start3A_116 : memref<1x128xi32, #tpu.memory_space<vmem>> -> memref<128xi32, #tpu.memory_space<vmem>>
      %dma_start3A_118 = arith.constant 0 : i32
      %dma_start3A_119 = tpu.memref_slice %arg10[%dma_start3A_118] : memref<8192xf32, #tpu.memory_space<vmem_shared>> -> memref<8192xf32, #tpu.memory_space<vmem_shared>>
      tpu.enqueue_indirect_dma source(%arg8 : memref<128xf32, #tpu.memory_space<vmem>>) target(%dma_start3A_119 : memref<8192xf32, #tpu.memory_space<vmem_shared>>) offsets(%dma_start3A_117 : memref<128xi32, #tpu.memory_space<vmem>>) semaphore(%run_scoped3A_114 : memref<!tpu.dma_semaphore, #tpu.memory_space<semaphore_mem>>) {add = true}
      %dma_wait3A_120 = arith.constant 0 : i32
      %dma_wait3A_121 = tpu.memref_slice %arg6[%run_scoped3A_88, %dma_wait3A_120] : memref<4x128xi32, #tpu.memory_space<vmem>> -> memref<1x128xi32, #tpu.memory_space<vmem>>
      %dma_wait3A_122 = tpu.memref_squeeze %dma_wait3A_121 : memref<1x128xi32, #tpu.memory_space<vmem>> -> memref<128xi32, #tpu.memory_space<vmem>>
      %dma_wait3A_123 = arith.constant 0 : i32
      %dma_wait3A_124 = tpu.memref_slice %arg10[%dma_wait3A_123] : memref<8192xf32, #tpu.memory_space<vmem_shared>> -> memref<8192xf32, #tpu.memory_space<vmem_shared>>
      tpu.wait_indirect_dma semaphore(%run_scoped3A_114 : memref<!tpu.dma_semaphore, #tpu.memory_space<semaphore_mem>>) src(%arg8 : memref<128xf32, #tpu.memory_space<vmem>>) dst(%dma_wait3A_124 : memref<8192xf32, #tpu.memory_space<vmem_shared>>)
      tpu.yield
    }) : () -> ()
    %dma_start3A_89 = arith.constant 3 : i32
    %dma_start3A_90 = arith.constant 0 : i32
    %dma_start3A_91 = tpu.memref_slice %arg6[%dma_start3A_89, %dma_start3A_90] : memref<4x128xi32, #tpu.memory_space<vmem>> -> memref<1x128xi32, #tpu.memory_space<vmem>>
    %dma_start3A_92 = tpu.memref_squeeze %dma_start3A_91 : memref<1x128xi32, #tpu.memory_space<vmem>> -> memref<128xi32, #tpu.memory_space<vmem>>
    %dma_start3A_93 = arith.constant 0 : i32
    %dma_start3A_94 = arith.constant 0 : i32
    %dma_start3A_95 = tpu.memref_slice %arg2[%dma_start3A_93, %dma_start3A_94] : memref<8192x32xf32, #tpu.memory_space<hbm>> -> memref<8192x32xf32, #tpu.memory_space<hbm>>
    tpu.enqueue_indirect_dma source(%dma_start3A_95 : memref<8192x32xf32, #tpu.memory_space<hbm>>) target(%arg7 : memref<128x32xf32, #tpu.memory_space<vmem>>) offsets(%dma_start3A_92 : memref<128xi32, #tpu.memory_space<vmem>>) semaphore(%arg11 : memref<!tpu.dma_semaphore, #tpu.memory_space<semaphore_mem>>)
    %dma_wait3A_96 = arith.constant 3 : i32
    %dma_wait3A_97 = arith.constant 0 : i32
    %dma_wait3A_98 = tpu.memref_slice %arg6[%dma_wait3A_96, %dma_wait3A_97] : memref<4x128xi32, #tpu.memory_space<vmem>> -> memref<1x128xi32, #tpu.memory_space<vmem>>
    %dma_wait3A_99 = tpu.memref_squeeze %dma_wait3A_98 : memref<1x128xi32, #tpu.memory_space<vmem>> -> memref<128xi32, #tpu.memory_space<vmem>>
    %dma_wait3A_100 = arith.constant 0 : i32
    %dma_wait3A_101 = arith.constant 0 : i32
    %dma_wait3A_102 = tpu.memref_slice %arg2[%dma_wait3A_100, %dma_wait3A_101] : memref<8192x32xf32, #tpu.memory_space<hbm>> -> memref<8192x32xf32, #tpu.memory_space<hbm>>
    tpu.wait_indirect_dma semaphore(%arg11 : memref<!tpu.dma_semaphore, #tpu.memory_space<semaphore_mem>>) src(%dma_wait3A_102 : memref<8192x32xf32, #tpu.memory_space<hbm>>) dst(%arg7 : memref<128x32xf32, #tpu.memory_space<vmem>>)
    %mul3A_103 = arith.constant 512 : i32
    %mul3A_104 = arith.muli %add3A, %mul3A_103 : i32
    %add3A_105 = arith.constant 384 : i32
    %add3A_106 = arith.addi %mul3A_104, %add3A_105 : i32
    "tpu.region"() ({
      %run_scoped3A_114 = tpu.sem_alloc : memref<!tpu.dma_semaphore, #tpu.memory_space<semaphore_mem>>
      %dma_start3A_115 = arith.constant 0 : i32
      %dma_start3A_116 = tpu.memref_slice %arg4[%add3A_106, %dma_start3A_115] : memref<16384x32xf32, #tpu.memory_space<hbm>> -> memref<128x32xf32, #tpu.memory_space<hbm>>
      %dma_start3A_117 = arith.constant 0 : i32
      %dma_start3A_118 = tpu.memref_slice %arg4[%add3A_106, %dma_start3A_117] : memref<16384x32xf32, #tpu.memory_space<hbm>> -> memref<128x32xf32, #tpu.memory_space<hbm>>
      tpu.enqueue_dma source(%arg7 : memref<128x32xf32, #tpu.memory_space<vmem>>) target(%dma_start3A_118 : memref<128x32xf32, #tpu.memory_space<hbm>>) target_semaphore(%run_scoped3A_114 : memref<!tpu.dma_semaphore, #tpu.memory_space<semaphore_mem>>)
      %dma_wait3A_119 = arith.constant 0 : i32
      %dma_wait3A_120 = tpu.memref_slice %arg4[%add3A_106, %dma_wait3A_119] : memref<16384x32xf32, #tpu.memory_space<hbm>> -> memref<128x32xf32, #tpu.memory_space<hbm>>
      %dma_wait3A_121 = arith.constant 0 : i32
      %dma_wait3A_122 = tpu.memref_slice %arg4[%add3A_106, %dma_wait3A_121] : memref<16384x32xf32, #tpu.memory_space<hbm>> -> memref<128x32xf32, #tpu.memory_space<hbm>>
      tpu.wait_dma2 semaphore(%run_scoped3A_114 : memref<!tpu.dma_semaphore, #tpu.memory_space<semaphore_mem>>) src(%arg7 : memref<128x32xf32, #tpu.memory_space<vmem>>) dst(%dma_wait3A_122 : memref<128x32xf32, #tpu.memory_space<hbm>>)
      tpu.yield
    }) : () -> ()
    %run_scoped3A_107 = arith.constant 3 : i32
    "tpu.region"() ({
      %run_scoped3A_114 = tpu.sem_alloc : memref<!tpu.dma_semaphore, #tpu.memory_space<semaphore_mem>>
      %dma_start3A_115 = arith.constant 0 : i32
      %dma_start3A_116 = tpu.memref_slice %arg6[%run_scoped3A_107, %dma_start3A_115] : memref<4x128xi32, #tpu.memory_space<vmem>> -> memref<1x128xi32, #tpu.memory_space<vmem>>
      %dma_start3A_117 = tpu.memref_squeeze %dma_start3A_116 : memref<1x128xi32, #tpu.memory_space<vmem>> -> memref<128xi32, #tpu.memory_space<vmem>>
      %dma_start3A_118 = arith.constant 0 : i32
      %dma_start3A_119 = tpu.memref_slice %arg10[%dma_start3A_118] : memref<8192xf32, #tpu.memory_space<vmem_shared>> -> memref<8192xf32, #tpu.memory_space<vmem_shared>>
      tpu.enqueue_indirect_dma source(%arg8 : memref<128xf32, #tpu.memory_space<vmem>>) target(%dma_start3A_119 : memref<8192xf32, #tpu.memory_space<vmem_shared>>) offsets(%dma_start3A_117 : memref<128xi32, #tpu.memory_space<vmem>>) semaphore(%run_scoped3A_114 : memref<!tpu.dma_semaphore, #tpu.memory_space<semaphore_mem>>) {add = true}
      %dma_wait3A_120 = arith.constant 0 : i32
      %dma_wait3A_121 = tpu.memref_slice %arg6[%run_scoped3A_107, %dma_wait3A_120] : memref<4x128xi32, #tpu.memory_space<vmem>> -> memref<1x128xi32, #tpu.memory_space<vmem>>
      %dma_wait3A_122 = tpu.memref_squeeze %dma_wait3A_121 : memref<1x128xi32, #tpu.memory_space<vmem>> -> memref<128xi32, #tpu.memory_space<vmem>>
      %dma_wait3A_123 = arith.constant 0 : i32
      %dma_wait3A_124 = tpu.memref_slice %arg10[%dma_wait3A_123] : memref<8192xf32, #tpu.memory_space<vmem_shared>> -> memref<8192xf32, #tpu.memory_space<vmem_shared>>
      tpu.wait_indirect_dma semaphore(%run_scoped3A_114 : memref<!tpu.dma_semaphore, #tpu.memory_space<semaphore_mem>>) src(%arg8 : memref<128xf32, #tpu.memory_space<vmem>>) dst(%dma_wait3A_124 : memref<8192xf32, #tpu.memory_space<vmem_shared>>)
      tpu.yield
    }) : () -> ()
    %barrier3A_108 = arith.constant 0 : index
    tpu.barrier barrier_id(%barrier3A_108)
    %eq3A_109 = arith.constant 0 : i32
    %eq3A_110 = arith.cmpi eq, %arg1, %eq3A_109 : i32
    %convert_element_type3A_111 = arith.extui %eq3A_110 : i1 to i32
    %cond3A_112 = arith.constant 0 : i32
    %cond3A_113 = arith.cmpi ne, %convert_element_type3A_111, %cond3A_112 : i32
    scf.if %cond3A_113 {
      "tpu.region"() ({
        %run_scoped3A_114 = tpu.sem_alloc : memref<!tpu.dma_semaphore, #tpu.memory_space<semaphore_mem>>
        %dma_start3A_115 = arith.constant 0 : i32
        %dma_start3A_116 = tpu.memref_slice %arg5[%arg0, %dma_start3A_115] : memref<2x8192xf32, #tpu.memory_space<hbm>> -> memref<1x8192xf32, #tpu.memory_space<hbm>>
        %dma_start3A_117 = tpu.memref_squeeze %dma_start3A_116 : memref<1x8192xf32, #tpu.memory_space<hbm>> -> memref<8192xf32, #tpu.memory_space<hbm>>
        tpu.enqueue_dma source(%arg10 : memref<8192xf32, #tpu.memory_space<vmem_shared>>) target(%dma_start3A_117 : memref<8192xf32, #tpu.memory_space<hbm>>) target_semaphore(%run_scoped3A_114 : memref<!tpu.dma_semaphore, #tpu.memory_space<semaphore_mem>>)
        %dma_wait3A_118 = arith.constant 0 : i32
        %dma_wait3A_119 = tpu.memref_slice %arg5[%arg0, %dma_wait3A_118] : memref<2x8192xf32, #tpu.memory_space<hbm>> -> memref<1x8192xf32, #tpu.memory_space<hbm>>
        %dma_wait3A_120 = tpu.memref_squeeze %dma_wait3A_119 : memref<1x8192xf32, #tpu.memory_space<hbm>> -> memref<8192xf32, #tpu.memory_space<hbm>>
        tpu.wait_dma2 semaphore(%run_scoped3A_114 : memref<!tpu.dma_semaphore, #tpu.memory_space<semaphore_mem>>) src(%arg10 : memref<8192xf32, #tpu.memory_space<vmem_shared>>) dst(%dma_wait3A_120 : memref<8192xf32, #tpu.memory_space<hbm>>)
        tpu.yield
      }) : () -> ()
    } else {
    }
    return
  }
}

module attributes {stable_mosaic.version = 14 : i64} {
  func.func @_argmin_body(%arg0: i32, %arg1: memref<512x1xf32, #tpu.memory_space<vmem>>, %arg2: memref<1x8192xf32, #tpu.memory_space<vmem>>, %arg3: memref<512x32xf32, #tpu.memory_space<vmem>>, %arg4: memref<8192x32xf32, #tpu.memory_space<vmem>>, %arg5: memref<1x4x128xi32, #tpu.memory_space<vmem>>, %arg6: memref<1x1xf32, #tpu.memory_space<vmem>>, %arg7: memref<512x1xf32, #tpu.memory_space<vmem>>) attributes {dimension_semantics = [#tpu.dimension_semantics<arbitrary>], iteration_bounds = array<i64: 32>, scalar_prefetch = 0 : i64, scratch_operands = 1 : i64, tpu.core_type = #tpu.core_type<tc>, window_params = [{transform_indices = @transform_0, window_bounds = array<i64: 512, 1>}, {pipeline_mode = #tpu.pipeline_mode<synchronous>, transform_indices = @transform_1, window_bounds = array<i64: 1, 8192>}, {transform_indices = @transform_2, window_bounds = array<i64: 512, 32>}, {pipeline_mode = #tpu.pipeline_mode<synchronous>, transform_indices = @transform_3, window_bounds = array<i64: 8192, 32>}, {transform_indices = @transform_4, window_bounds = array<i64: 1, 4, 128>}, {pipeline_mode = #tpu.pipeline_mode<synchronous>, transform_indices = @transform_5, window_bounds = array<i64: 1, 1>}]} {
    %eq3A = arith.constant 0 : i32
    %eq3A_0 = arith.cmpi eq, %arg0, %eq3A : i32
    %convert_element_type3A = arith.extui %eq3A_0 : i1 to i32
    %cond3A = arith.constant 0 : i32
    %cond3A_1 = arith.cmpi ne, %convert_element_type3A, %cond3A : i32
    scf.if %cond3A_1 {
      %broadcast_in_dim3A_1162 = arith.constant 0.000000e+00 : f32
      %broadcast_in_dim3A_1163 = vector.broadcast %broadcast_in_dim3A_1162 : f32 to vector<512x1xf32>
      %swap3A_1164 = arith.constant 0 : index
      %swap3A_1165 = arith.constant 0 : index
      %swap3A_1166 = vector.load %arg7[%swap3A_1164, %swap3A_1165] : memref<512x1xf32, #tpu.memory_space<vmem>>, vector<512x1xf32>
      tpu.vector_store %arg7[%swap3A_1164, %swap3A_1165], %broadcast_in_dim3A_1163 {strides = array<i32>} : memref<512x1xf32, #tpu.memory_space<vmem>>, vector<512x1xf32>,
    } else {
    }
    %get3A = arith.constant 0 : index
    %get3A_2 = arith.constant 0 : index
    %get3A_3 = vector.load %arg3[%get3A, %get3A_2] : memref<512x32xf32, #tpu.memory_space<vmem>>, vector<512x32xf32>
    %mul3A = arith.constant 2.000000e+00 : f32
    %mul3A_4 = vector.broadcast %mul3A : f32 to vector<512x32xf32>
    %mul3A_5 = arith.mulf %mul3A_4, %get3A_3 : vector<512x32xf32>
    %get3A_6 = arith.constant 0 : index
    %get3A_7 = arith.constant 0 : index
    %get3A_8 = vector.load %arg1[%get3A_6, %get3A_7] : memref<512x1xf32, #tpu.memory_space<vmem>>, vector<512x1xf32>
    %iota3A = tpu.iota {dimensions = array<i32: 1>} : vector<512x128xi32>
    %broadcast_in_dim3A = arith.constant 0x7F800000 : f32
    %broadcast_in_dim3A_9 = vector.broadcast %broadcast_in_dim3A : f32 to vector<512x1xf32>
    %broadcast_in_dim3A_10 = arith.constant 0x7F800000 : f32
    %broadcast_in_dim3A_11 = vector.broadcast %broadcast_in_dim3A_10 : f32 to vector<512x1xf32>
    %broadcast_in_dim3A_12 = arith.constant 0 : i32
    %broadcast_in_dim3A_13 = vector.broadcast %broadcast_in_dim3A_12 : i32 to vector<512x1xi32>
    %broadcast_in_dim3A_14 = arith.constant 0x7F800000 : f32
    %broadcast_in_dim3A_15 = vector.broadcast %broadcast_in_dim3A_14 : f32 to vector<512x128xf32>
    %broadcast_in_dim3A_16 = arith.constant 0 : i32
    %broadcast_in_dim3A_17 = vector.broadcast %broadcast_in_dim3A_16 : i32 to vector<512x128xi32>
    %get3A_18 = arith.constant 0 : index
    %get3A_19 = arith.constant 0 : index
    %get3A_20 = vector.load %arg4[%get3A_18, %get3A_19] : memref<8192x32xf32, #tpu.memory_space<vmem>>, vector<128x32xf32>
    %dot_general3A = arith.constant dense<0.000000e+00> : vector<512x128xf32>
    %dot_general3A_21 = tpu.matmul %mul3A_5, %get3A_20, %dot_general3A {dimension_numbers = #tpu.dot_dimension_numbers<[1], [1], [0], [0], [0, 0, 1, 0], [], []>, transpose_lhs_hint = false} : vector<512x32xf32>, vector<128x32xf32>, vector<512x128xf32> -> vector<512x128xf32>
    %get3A_22 = arith.constant 0 : index
    %get3A_23 = arith.constant 0 : index
    %get3A_24 = vector.load %arg2[%get3A_22, %get3A_23] : memref<1x8192xf32, #tpu.memory_space<vmem>>, vector<1x128xf32>
    %add3A = vector.broadcast %get3A_8 : vector<512x1xf32> to vector<512x128xf32>
    %add3A_25 = vector.broadcast %get3A_24 : vector<1x128xf32> to vector<512x128xf32>
    %add3A_26 = arith.addf %add3A, %add3A_25 : vector<512x128xf32>
    %sub3A = arith.subf %add3A_26, %dot_general3A_21 : vector<512x128xf32>
    %lt3A = arith.cmpf olt, %sub3A, %broadcast_in_dim3A_15 : vector<512x128xf32>
    %min3A = arith.minimumf %broadcast_in_dim3A_15, %sub3A : vector<512x128xf32>
    %jit3A = arith.constant 0 : i32
    %broadcast_in_dim3A_27 = vector.broadcast %jit3A : i32 to vector<512x128xi32>
    %select_n3A = arith.select %lt3A, %broadcast_in_dim3A_27, %broadcast_in_dim3A_17 : vector<512x128xi1>, vector<512x128xi32>
    %get3A_28 = arith.constant 128 : index
    %get3A_29 = arith.constant 0 : index
    %get3A_30 = vector.load %arg4[%get3A_28, %get3A_29] : memref<8192x32xf32, #tpu.memory_space<vmem>>, vector<128x32xf32>
    %dot_general3A_31 = arith.constant dense<0.000000e+00> : vector<512x128xf32>
    %dot_general3A_32 = tpu.matmul %mul3A_5, %get3A_30, %dot_general3A_31 {dimension_numbers = #tpu.dot_dimension_numbers<[1], [1], [0], [0], [0, 0, 1, 0], [], []>, transpose_lhs_hint = false} : vector<512x32xf32>, vector<128x32xf32>, vector<512x128xf32> -> vector<512x128xf32>
    %get3A_33 = arith.constant 0 : index
    %get3A_34 = arith.constant 128 : index
    %get3A_35 = vector.load %arg2[%get3A_33, %get3A_34] : memref<1x8192xf32, #tpu.memory_space<vmem>>, vector<1x128xf32>
    %add3A_36 = vector.broadcast %get3A_8 : vector<512x1xf32> to vector<512x128xf32>
    %add3A_37 = vector.broadcast %get3A_35 : vector<1x128xf32> to vector<512x128xf32>
    %add3A_38 = arith.addf %add3A_36, %add3A_37 : vector<512x128xf32>
    %sub3A_39 = arith.subf %add3A_38, %dot_general3A_32 : vector<512x128xf32>
    %lt3A_40 = arith.cmpf olt, %sub3A_39, %min3A : vector<512x128xf32>
    %min3A_41 = arith.minimumf %min3A, %sub3A_39 : vector<512x128xf32>
    %jit3A_42 = arith.constant 1 : i32
    %broadcast_in_dim3A_43 = vector.broadcast %jit3A_42 : i32 to vector<512x128xi32>
    %select_n3A_44 = arith.select %lt3A_40, %broadcast_in_dim3A_43, %select_n3A : vector<512x128xi1>, vector<512x128xi32>
    %get3A_45 = arith.constant 256 : index
    %get3A_46 = arith.constant 0 : index
    %get3A_47 = vector.load %arg4[%get3A_45, %get3A_46] : memref<8192x32xf32, #tpu.memory_space<vmem>>, vector<128x32xf32>
    %dot_general3A_48 = arith.constant dense<0.000000e+00> : vector<512x128xf32>
    %dot_general3A_49 = tpu.matmul %mul3A_5, %get3A_47, %dot_general3A_48 {dimension_numbers = #tpu.dot_dimension_numbers<[1], [1], [0], [0], [0, 0, 1, 0], [], []>, transpose_lhs_hint = false} : vector<512x32xf32>, vector<128x32xf32>, vector<512x128xf32> -> vector<512x128xf32>
    %get3A_50 = arith.constant 0 : index
    %get3A_51 = arith.constant 256 : index
    %get3A_52 = vector.load %arg2[%get3A_50, %get3A_51] : memref<1x8192xf32, #tpu.memory_space<vmem>>, vector<1x128xf32>
    %add3A_53 = vector.broadcast %get3A_8 : vector<512x1xf32> to vector<512x128xf32>
    %add3A_54 = vector.broadcast %get3A_52 : vector<1x128xf32> to vector<512x128xf32>
    %add3A_55 = arith.addf %add3A_53, %add3A_54 : vector<512x128xf32>
    %sub3A_56 = arith.subf %add3A_55, %dot_general3A_49 : vector<512x128xf32>
    %lt3A_57 = arith.cmpf olt, %sub3A_56, %min3A_41 : vector<512x128xf32>
    %min3A_58 = arith.minimumf %min3A_41, %sub3A_56 : vector<512x128xf32>
    %jit3A_59 = arith.constant 2 : i32
    %broadcast_in_dim3A_60 = vector.broadcast %jit3A_59 : i32 to vector<512x128xi32>
    %select_n3A_61 = arith.select %lt3A_57, %broadcast_in_dim3A_60, %select_n3A_44 : vector<512x128xi1>, vector<512x128xi32>
    %get3A_62 = arith.constant 384 : index
    %get3A_63 = arith.constant 0 : index
    %get3A_64 = vector.load %arg4[%get3A_62, %get3A_63] : memref<8192x32xf32, #tpu.memory_space<vmem>>, vector<128x32xf32>
    %dot_general3A_65 = arith.constant dense<0.000000e+00> : vector<512x128xf32>
    %dot_general3A_66 = tpu.matmul %mul3A_5, %get3A_64, %dot_general3A_65 {dimension_numbers = #tpu.dot_dimension_numbers<[1], [1], [0], [0], [0, 0, 1, 0], [], []>, transpose_lhs_hint = false} : vector<512x32xf32>, vector<128x32xf32>, vector<512x128xf32> -> vector<512x128xf32>
    %get3A_67 = arith.constant 0 : index
    %get3A_68 = arith.constant 384 : index
    %get3A_69 = vector.load %arg2[%get3A_67, %get3A_68] : memref<1x8192xf32, #tpu.memory_space<vmem>>, vector<1x128xf32>
    %add3A_70 = vector.broadcast %get3A_8 : vector<512x1xf32> to vector<512x128xf32>
    %add3A_71 = vector.broadcast %get3A_69 : vector<1x128xf32> to vector<512x128xf32>
    %add3A_72 = arith.addf %add3A_70, %add3A_71 : vector<512x128xf32>
    %sub3A_73 = arith.subf %add3A_72, %dot_general3A_66 : vector<512x128xf32>
    %lt3A_74 = arith.cmpf olt, %sub3A_73, %min3A_58 : vector<512x128xf32>
    %min3A_75 = arith.minimumf %min3A_58, %sub3A_73 : vector<512x128xf32>
    %jit3A_76 = arith.constant 3 : i32
    %broadcast_in_dim3A_77 = vector.broadcast %jit3A_76 : i32 to vector<512x128xi32>
    %select_n3A_78 = arith.select %lt3A_74, %broadcast_in_dim3A_77, %select_n3A_61 : vector<512x128xi1>, vector<512x128xi32>
    %get3A_79 = arith.constant 512 : index
    %get3A_80 = arith.constant 0 : index
    %get3A_81 = vector.load %arg4[%get3A_79, %get3A_80] : memref<8192x32xf32, #tpu.memory_space<vmem>>, vector<128x32xf32>
    %dot_general3A_82 = arith.constant dense<0.000000e+00> : vector<512x128xf32>
    %dot_general3A_83 = tpu.matmul %mul3A_5, %get3A_81, %dot_general3A_82 {dimension_numbers = #tpu.dot_dimension_numbers<[1], [1], [0], [0], [0, 0, 1, 0], [], []>, transpose_lhs_hint = false} : vector<512x32xf32>, vector<128x32xf32>, vector<512x128xf32> -> vector<512x128xf32>
    %get3A_84 = arith.constant 0 : index
    %get3A_85 = arith.constant 512 : index
    %get3A_86 = vector.load %arg2[%get3A_84, %get3A_85] : memref<1x8192xf32, #tpu.memory_space<vmem>>, vector<1x128xf32>
    %add3A_87 = vector.broadcast %get3A_8 : vector<512x1xf32> to vector<512x128xf32>
    %add3A_88 = vector.broadcast %get3A_86 : vector<1x128xf32> to vector<512x128xf32>
    %add3A_89 = arith.addf %add3A_87, %add3A_88 : vector<512x128xf32>
    %sub3A_90 = arith.subf %add3A_89, %dot_general3A_83 : vector<512x128xf32>
    %lt3A_91 = arith.cmpf olt, %sub3A_90, %min3A_75 : vector<512x128xf32>
    %min3A_92 = arith.minimumf %min3A_75, %sub3A_90 : vector<512x128xf32>
    %jit3A_93 = arith.constant 4 : i32
    %broadcast_in_dim3A_94 = vector.broadcast %jit3A_93 : i32 to vector<512x128xi32>
    %select_n3A_95 = arith.select %lt3A_91, %broadcast_in_dim3A_94, %select_n3A_78 : vector<512x128xi1>, vector<512x128xi32>
    %get3A_96 = arith.constant 640 : index
    %get3A_97 = arith.constant 0 : index
    %get3A_98 = vector.load %arg4[%get3A_96, %get3A_97] : memref<8192x32xf32, #tpu.memory_space<vmem>>, vector<128x32xf32>
    %dot_general3A_99 = arith.constant dense<0.000000e+00> : vector<512x128xf32>
    %dot_general3A_100 = tpu.matmul %mul3A_5, %get3A_98, %dot_general3A_99 {dimension_numbers = #tpu.dot_dimension_numbers<[1], [1], [0], [0], [0, 0, 1, 0], [], []>, transpose_lhs_hint = false} : vector<512x32xf32>, vector<128x32xf32>, vector<512x128xf32> -> vector<512x128xf32>
    %get3A_101 = arith.constant 0 : index
    %get3A_102 = arith.constant 640 : index
    %get3A_103 = vector.load %arg2[%get3A_101, %get3A_102] : memref<1x8192xf32, #tpu.memory_space<vmem>>, vector<1x128xf32>
    %add3A_104 = vector.broadcast %get3A_8 : vector<512x1xf32> to vector<512x128xf32>
    %add3A_105 = vector.broadcast %get3A_103 : vector<1x128xf32> to vector<512x128xf32>
    %add3A_106 = arith.addf %add3A_104, %add3A_105 : vector<512x128xf32>
    %sub3A_107 = arith.subf %add3A_106, %dot_general3A_100 : vector<512x128xf32>
    %lt3A_108 = arith.cmpf olt, %sub3A_107, %min3A_92 : vector<512x128xf32>
    %min3A_109 = arith.minimumf %min3A_92, %sub3A_107 : vector<512x128xf32>
    %jit3A_110 = arith.constant 5 : i32
    %broadcast_in_dim3A_111 = vector.broadcast %jit3A_110 : i32 to vector<512x128xi32>
    %select_n3A_112 = arith.select %lt3A_108, %broadcast_in_dim3A_111, %select_n3A_95 : vector<512x128xi1>, vector<512x128xi32>
    %get3A_113 = arith.constant 768 : index
    %get3A_114 = arith.constant 0 : index
    %get3A_115 = vector.load %arg4[%get3A_113, %get3A_114] : memref<8192x32xf32, #tpu.memory_space<vmem>>, vector<128x32xf32>
    %dot_general3A_116 = arith.constant dense<0.000000e+00> : vector<512x128xf32>
    %dot_general3A_117 = tpu.matmul %mul3A_5, %get3A_115, %dot_general3A_116 {dimension_numbers = #tpu.dot_dimension_numbers<[1], [1], [0], [0], [0, 0, 1, 0], [], []>, transpose_lhs_hint = false} : vector<512x32xf32>, vector<128x32xf32>, vector<512x128xf32> -> vector<512x128xf32>
    %get3A_118 = arith.constant 0 : index
    %get3A_119 = arith.constant 768 : index
    %get3A_120 = vector.load %arg2[%get3A_118, %get3A_119] : memref<1x8192xf32, #tpu.memory_space<vmem>>, vector<1x128xf32>
    %add3A_121 = vector.broadcast %get3A_8 : vector<512x1xf32> to vector<512x128xf32>
    %add3A_122 = vector.broadcast %get3A_120 : vector<1x128xf32> to vector<512x128xf32>
    %add3A_123 = arith.addf %add3A_121, %add3A_122 : vector<512x128xf32>
    %sub3A_124 = arith.subf %add3A_123, %dot_general3A_117 : vector<512x128xf32>
    %lt3A_125 = arith.cmpf olt, %sub3A_124, %min3A_109 : vector<512x128xf32>
    %min3A_126 = arith.minimumf %min3A_109, %sub3A_124 : vector<512x128xf32>
    %jit3A_127 = arith.constant 6 : i32
    %broadcast_in_dim3A_128 = vector.broadcast %jit3A_127 : i32 to vector<512x128xi32>
    %select_n3A_129 = arith.select %lt3A_125, %broadcast_in_dim3A_128, %select_n3A_112 : vector<512x128xi1>, vector<512x128xi32>
    %get3A_130 = arith.constant 896 : index
    %get3A_131 = arith.constant 0 : index
    %get3A_132 = vector.load %arg4[%get3A_130, %get3A_131] : memref<8192x32xf32, #tpu.memory_space<vmem>>, vector<128x32xf32>
    %dot_general3A_133 = arith.constant dense<0.000000e+00> : vector<512x128xf32>
    %dot_general3A_134 = tpu.matmul %mul3A_5, %get3A_132, %dot_general3A_133 {dimension_numbers = #tpu.dot_dimension_numbers<[1], [1], [0], [0], [0, 0, 1, 0], [], []>, transpose_lhs_hint = false} : vector<512x32xf32>, vector<128x32xf32>, vector<512x128xf32> -> vector<512x128xf32>
    %get3A_135 = arith.constant 0 : index
    %get3A_136 = arith.constant 896 : index
    %get3A_137 = vector.load %arg2[%get3A_135, %get3A_136] : memref<1x8192xf32, #tpu.memory_space<vmem>>, vector<1x128xf32>
    %add3A_138 = vector.broadcast %get3A_8 : vector<512x1xf32> to vector<512x128xf32>
    %add3A_139 = vector.broadcast %get3A_137 : vector<1x128xf32> to vector<512x128xf32>
    %add3A_140 = arith.addf %add3A_138, %add3A_139 : vector<512x128xf32>
    %sub3A_141 = arith.subf %add3A_140, %dot_general3A_134 : vector<512x128xf32>
    %lt3A_142 = arith.cmpf olt, %sub3A_141, %min3A_126 : vector<512x128xf32>
    %min3A_143 = arith.minimumf %min3A_126, %sub3A_141 : vector<512x128xf32>
    %jit3A_144 = arith.constant 7 : i32
    %broadcast_in_dim3A_145 = vector.broadcast %jit3A_144 : i32 to vector<512x128xi32>
    %select_n3A_146 = arith.select %lt3A_142, %broadcast_in_dim3A_145, %select_n3A_129 : vector<512x128xi1>, vector<512x128xi32>
    %get3A_147 = arith.constant 1024 : index
    %get3A_148 = arith.constant 0 : index
    %get3A_149 = vector.load %arg4[%get3A_147, %get3A_148] : memref<8192x32xf32, #tpu.memory_space<vmem>>, vector<128x32xf32>
    %dot_general3A_150 = arith.constant dense<0.000000e+00> : vector<512x128xf32>
    %dot_general3A_151 = tpu.matmul %mul3A_5, %get3A_149, %dot_general3A_150 {dimension_numbers = #tpu.dot_dimension_numbers<[1], [1], [0], [0], [0, 0, 1, 0], [], []>, transpose_lhs_hint = false} : vector<512x32xf32>, vector<128x32xf32>, vector<512x128xf32> -> vector<512x128xf32>
    %get3A_152 = arith.constant 0 : index
    %get3A_153 = arith.constant 1024 : index
    %get3A_154 = vector.load %arg2[%get3A_152, %get3A_153] : memref<1x8192xf32, #tpu.memory_space<vmem>>, vector<1x128xf32>
    %add3A_155 = vector.broadcast %get3A_8 : vector<512x1xf32> to vector<512x128xf32>
    %add3A_156 = vector.broadcast %get3A_154 : vector<1x128xf32> to vector<512x128xf32>
    %add3A_157 = arith.addf %add3A_155, %add3A_156 : vector<512x128xf32>
    %sub3A_158 = arith.subf %add3A_157, %dot_general3A_151 : vector<512x128xf32>
    %lt3A_159 = arith.cmpf olt, %sub3A_158, %min3A_143 : vector<512x128xf32>
    %min3A_160 = arith.minimumf %min3A_143, %sub3A_158 : vector<512x128xf32>
    %jit3A_161 = arith.constant 8 : i32
    %broadcast_in_dim3A_162 = vector.broadcast %jit3A_161 : i32 to vector<512x128xi32>
    %select_n3A_163 = arith.select %lt3A_159, %broadcast_in_dim3A_162, %select_n3A_146 : vector<512x128xi1>, vector<512x128xi32>
    %get3A_164 = arith.constant 1152 : index
    %get3A_165 = arith.constant 0 : index
    %get3A_166 = vector.load %arg4[%get3A_164, %get3A_165] : memref<8192x32xf32, #tpu.memory_space<vmem>>, vector<128x32xf32>
    %dot_general3A_167 = arith.constant dense<0.000000e+00> : vector<512x128xf32>
    %dot_general3A_168 = tpu.matmul %mul3A_5, %get3A_166, %dot_general3A_167 {dimension_numbers = #tpu.dot_dimension_numbers<[1], [1], [0], [0], [0, 0, 1, 0], [], []>, transpose_lhs_hint = false} : vector<512x32xf32>, vector<128x32xf32>, vector<512x128xf32> -> vector<512x128xf32>
    %get3A_169 = arith.constant 0 : index
    %get3A_170 = arith.constant 1152 : index
    %get3A_171 = vector.load %arg2[%get3A_169, %get3A_170] : memref<1x8192xf32, #tpu.memory_space<vmem>>, vector<1x128xf32>
    %add3A_172 = vector.broadcast %get3A_8 : vector<512x1xf32> to vector<512x128xf32>
    %add3A_173 = vector.broadcast %get3A_171 : vector<1x128xf32> to vector<512x128xf32>
    %add3A_174 = arith.addf %add3A_172, %add3A_173 : vector<512x128xf32>
    %sub3A_175 = arith.subf %add3A_174, %dot_general3A_168 : vector<512x128xf32>
    %lt3A_176 = arith.cmpf olt, %sub3A_175, %min3A_160 : vector<512x128xf32>
    %min3A_177 = arith.minimumf %min3A_160, %sub3A_175 : vector<512x128xf32>
    %jit3A_178 = arith.constant 9 : i32
    %broadcast_in_dim3A_179 = vector.broadcast %jit3A_178 : i32 to vector<512x128xi32>
    %select_n3A_180 = arith.select %lt3A_176, %broadcast_in_dim3A_179, %select_n3A_163 : vector<512x128xi1>, vector<512x128xi32>
    %get3A_181 = arith.constant 1280 : index
    %get3A_182 = arith.constant 0 : index
    %get3A_183 = vector.load %arg4[%get3A_181, %get3A_182] : memref<8192x32xf32, #tpu.memory_space<vmem>>, vector<128x32xf32>
    %dot_general3A_184 = arith.constant dense<0.000000e+00> : vector<512x128xf32>
    %dot_general3A_185 = tpu.matmul %mul3A_5, %get3A_183, %dot_general3A_184 {dimension_numbers = #tpu.dot_dimension_numbers<[1], [1], [0], [0], [0, 0, 1, 0], [], []>, transpose_lhs_hint = false} : vector<512x32xf32>, vector<128x32xf32>, vector<512x128xf32> -> vector<512x128xf32>
    %get3A_186 = arith.constant 0 : index
    %get3A_187 = arith.constant 1280 : index
    %get3A_188 = vector.load %arg2[%get3A_186, %get3A_187] : memref<1x8192xf32, #tpu.memory_space<vmem>>, vector<1x128xf32>
    %add3A_189 = vector.broadcast %get3A_8 : vector<512x1xf32> to vector<512x128xf32>
    %add3A_190 = vector.broadcast %get3A_188 : vector<1x128xf32> to vector<512x128xf32>
    %add3A_191 = arith.addf %add3A_189, %add3A_190 : vector<512x128xf32>
    %sub3A_192 = arith.subf %add3A_191, %dot_general3A_185 : vector<512x128xf32>
    %lt3A_193 = arith.cmpf olt, %sub3A_192, %min3A_177 : vector<512x128xf32>
    %min3A_194 = arith.minimumf %min3A_177, %sub3A_192 : vector<512x128xf32>
    %jit3A_195 = arith.constant 10 : i32
    %broadcast_in_dim3A_196 = vector.broadcast %jit3A_195 : i32 to vector<512x128xi32>
    %select_n3A_197 = arith.select %lt3A_193, %broadcast_in_dim3A_196, %select_n3A_180 : vector<512x128xi1>, vector<512x128xi32>
    %get3A_198 = arith.constant 1408 : index
    %get3A_199 = arith.constant 0 : index
    %get3A_200 = vector.load %arg4[%get3A_198, %get3A_199] : memref<8192x32xf32, #tpu.memory_space<vmem>>, vector<128x32xf32>
    %dot_general3A_201 = arith.constant dense<0.000000e+00> : vector<512x128xf32>
    %dot_general3A_202 = tpu.matmul %mul3A_5, %get3A_200, %dot_general3A_201 {dimension_numbers = #tpu.dot_dimension_numbers<[1], [1], [0], [0], [0, 0, 1, 0], [], []>, transpose_lhs_hint = false} : vector<512x32xf32>, vector<128x32xf32>, vector<512x128xf32> -> vector<512x128xf32>
    %get3A_203 = arith.constant 0 : index
    %get3A_204 = arith.constant 1408 : index
    %get3A_205 = vector.load %arg2[%get3A_203, %get3A_204] : memref<1x8192xf32, #tpu.memory_space<vmem>>, vector<1x128xf32>
    %add3A_206 = vector.broadcast %get3A_8 : vector<512x1xf32> to vector<512x128xf32>
    %add3A_207 = vector.broadcast %get3A_205 : vector<1x128xf32> to vector<512x128xf32>
    %add3A_208 = arith.addf %add3A_206, %add3A_207 : vector<512x128xf32>
    %sub3A_209 = arith.subf %add3A_208, %dot_general3A_202 : vector<512x128xf32>
    %lt3A_210 = arith.cmpf olt, %sub3A_209, %min3A_194 : vector<512x128xf32>
    %min3A_211 = arith.minimumf %min3A_194, %sub3A_209 : vector<512x128xf32>
    %jit3A_212 = arith.constant 11 : i32
    %broadcast_in_dim3A_213 = vector.broadcast %jit3A_212 : i32 to vector<512x128xi32>
    %select_n3A_214 = arith.select %lt3A_210, %broadcast_in_dim3A_213, %select_n3A_197 : vector<512x128xi1>, vector<512x128xi32>
    %get3A_215 = arith.constant 1536 : index
    %get3A_216 = arith.constant 0 : index
    %get3A_217 = vector.load %arg4[%get3A_215, %get3A_216] : memref<8192x32xf32, #tpu.memory_space<vmem>>, vector<128x32xf32>
    %dot_general3A_218 = arith.constant dense<0.000000e+00> : vector<512x128xf32>
    %dot_general3A_219 = tpu.matmul %mul3A_5, %get3A_217, %dot_general3A_218 {dimension_numbers = #tpu.dot_dimension_numbers<[1], [1], [0], [0], [0, 0, 1, 0], [], []>, transpose_lhs_hint = false} : vector<512x32xf32>, vector<128x32xf32>, vector<512x128xf32> -> vector<512x128xf32>
    %get3A_220 = arith.constant 0 : index
    %get3A_221 = arith.constant 1536 : index
    %get3A_222 = vector.load %arg2[%get3A_220, %get3A_221] : memref<1x8192xf32, #tpu.memory_space<vmem>>, vector<1x128xf32>
    %add3A_223 = vector.broadcast %get3A_8 : vector<512x1xf32> to vector<512x128xf32>
    %add3A_224 = vector.broadcast %get3A_222 : vector<1x128xf32> to vector<512x128xf32>
    %add3A_225 = arith.addf %add3A_223, %add3A_224 : vector<512x128xf32>
    %sub3A_226 = arith.subf %add3A_225, %dot_general3A_219 : vector<512x128xf32>
    %lt3A_227 = arith.cmpf olt, %sub3A_226, %min3A_211 : vector<512x128xf32>
    %min3A_228 = arith.minimumf %min3A_211, %sub3A_226 : vector<512x128xf32>
    %jit3A_229 = arith.constant 12 : i32
    %broadcast_in_dim3A_230 = vector.broadcast %jit3A_229 : i32 to vector<512x128xi32>
    %select_n3A_231 = arith.select %lt3A_227, %broadcast_in_dim3A_230, %select_n3A_214 : vector<512x128xi1>, vector<512x128xi32>
    %get3A_232 = arith.constant 1664 : index
    %get3A_233 = arith.constant 0 : index
    %get3A_234 = vector.load %arg4[%get3A_232, %get3A_233] : memref<8192x32xf32, #tpu.memory_space<vmem>>, vector<128x32xf32>
    %dot_general3A_235 = arith.constant dense<0.000000e+00> : vector<512x128xf32>
    %dot_general3A_236 = tpu.matmul %mul3A_5, %get3A_234, %dot_general3A_235 {dimension_numbers = #tpu.dot_dimension_numbers<[1], [1], [0], [0], [0, 0, 1, 0], [], []>, transpose_lhs_hint = false} : vector<512x32xf32>, vector<128x32xf32>, vector<512x128xf32> -> vector<512x128xf32>
    %get3A_237 = arith.constant 0 : index
    %get3A_238 = arith.constant 1664 : index
    %get3A_239 = vector.load %arg2[%get3A_237, %get3A_238] : memref<1x8192xf32, #tpu.memory_space<vmem>>, vector<1x128xf32>
    %add3A_240 = vector.broadcast %get3A_8 : vector<512x1xf32> to vector<512x128xf32>
    %add3A_241 = vector.broadcast %get3A_239 : vector<1x128xf32> to vector<512x128xf32>
    %add3A_242 = arith.addf %add3A_240, %add3A_241 : vector<512x128xf32>
    %sub3A_243 = arith.subf %add3A_242, %dot_general3A_236 : vector<512x128xf32>
    %lt3A_244 = arith.cmpf olt, %sub3A_243, %min3A_228 : vector<512x128xf32>
    %min3A_245 = arith.minimumf %min3A_228, %sub3A_243 : vector<512x128xf32>
    %jit3A_246 = arith.constant 13 : i32
    %broadcast_in_dim3A_247 = vector.broadcast %jit3A_246 : i32 to vector<512x128xi32>
    %select_n3A_248 = arith.select %lt3A_244, %broadcast_in_dim3A_247, %select_n3A_231 : vector<512x128xi1>, vector<512x128xi32>
    %get3A_249 = arith.constant 1792 : index
    %get3A_250 = arith.constant 0 : index
    %get3A_251 = vector.load %arg4[%get3A_249, %get3A_250] : memref<8192x32xf32, #tpu.memory_space<vmem>>, vector<128x32xf32>
    %dot_general3A_252 = arith.constant dense<0.000000e+00> : vector<512x128xf32>
    %dot_general3A_253 = tpu.matmul %mul3A_5, %get3A_251, %dot_general3A_252 {dimension_numbers = #tpu.dot_dimension_numbers<[1], [1], [0], [0], [0, 0, 1, 0], [], []>, transpose_lhs_hint = false} : vector<512x32xf32>, vector<128x32xf32>, vector<512x128xf32> -> vector<512x128xf32>
    %get3A_254 = arith.constant 0 : index
    %get3A_255 = arith.constant 1792 : index
    %get3A_256 = vector.load %arg2[%get3A_254, %get3A_255] : memref<1x8192xf32, #tpu.memory_space<vmem>>, vector<1x128xf32>
    %add3A_257 = vector.broadcast %get3A_8 : vector<512x1xf32> to vector<512x128xf32>
    %add3A_258 = vector.broadcast %get3A_256 : vector<1x128xf32> to vector<512x128xf32>
    %add3A_259 = arith.addf %add3A_257, %add3A_258 : vector<512x128xf32>
    %sub3A_260 = arith.subf %add3A_259, %dot_general3A_253 : vector<512x128xf32>
    %lt3A_261 = arith.cmpf olt, %sub3A_260, %min3A_245 : vector<512x128xf32>
    %min3A_262 = arith.minimumf %min3A_245, %sub3A_260 : vector<512x128xf32>
    %jit3A_263 = arith.constant 14 : i32
    %broadcast_in_dim3A_264 = vector.broadcast %jit3A_263 : i32 to vector<512x128xi32>
    %select_n3A_265 = arith.select %lt3A_261, %broadcast_in_dim3A_264, %select_n3A_248 : vector<512x128xi1>, vector<512x128xi32>
    %get3A_266 = arith.constant 1920 : index
    %get3A_267 = arith.constant 0 : index
    %get3A_268 = vector.load %arg4[%get3A_266, %get3A_267] : memref<8192x32xf32, #tpu.memory_space<vmem>>, vector<128x32xf32>
    %dot_general3A_269 = arith.constant dense<0.000000e+00> : vector<512x128xf32>
    %dot_general3A_270 = tpu.matmul %mul3A_5, %get3A_268, %dot_general3A_269 {dimension_numbers = #tpu.dot_dimension_numbers<[1], [1], [0], [0], [0, 0, 1, 0], [], []>, transpose_lhs_hint = false} : vector<512x32xf32>, vector<128x32xf32>, vector<512x128xf32> -> vector<512x128xf32>
    %get3A_271 = arith.constant 0 : index
    %get3A_272 = arith.constant 1920 : index
    %get3A_273 = vector.load %arg2[%get3A_271, %get3A_272] : memref<1x8192xf32, #tpu.memory_space<vmem>>, vector<1x128xf32>
    %add3A_274 = vector.broadcast %get3A_8 : vector<512x1xf32> to vector<512x128xf32>
    %add3A_275 = vector.broadcast %get3A_273 : vector<1x128xf32> to vector<512x128xf32>
    %add3A_276 = arith.addf %add3A_274, %add3A_275 : vector<512x128xf32>
    %sub3A_277 = arith.subf %add3A_276, %dot_general3A_270 : vector<512x128xf32>
    %lt3A_278 = arith.cmpf olt, %sub3A_277, %min3A_262 : vector<512x128xf32>
    %min3A_279 = arith.minimumf %min3A_262, %sub3A_277 : vector<512x128xf32>
    %jit3A_280 = arith.constant 15 : i32
    %broadcast_in_dim3A_281 = vector.broadcast %jit3A_280 : i32 to vector<512x128xi32>
    %select_n3A_282 = arith.select %lt3A_278, %broadcast_in_dim3A_281, %select_n3A_265 : vector<512x128xi1>, vector<512x128xi32>
    %get3A_283 = arith.constant 2048 : index
    %get3A_284 = arith.constant 0 : index
    %get3A_285 = vector.load %arg4[%get3A_283, %get3A_284] : memref<8192x32xf32, #tpu.memory_space<vmem>>, vector<128x32xf32>
    %dot_general3A_286 = arith.constant dense<0.000000e+00> : vector<512x128xf32>
    %dot_general3A_287 = tpu.matmul %mul3A_5, %get3A_285, %dot_general3A_286 {dimension_numbers = #tpu.dot_dimension_numbers<[1], [1], [0], [0], [0, 0, 1, 0], [], []>, transpose_lhs_hint = false} : vector<512x32xf32>, vector<128x32xf32>, vector<512x128xf32> -> vector<512x128xf32>
    %get3A_288 = arith.constant 0 : index
    %get3A_289 = arith.constant 2048 : index
    %get3A_290 = vector.load %arg2[%get3A_288, %get3A_289] : memref<1x8192xf32, #tpu.memory_space<vmem>>, vector<1x128xf32>
    %add3A_291 = vector.broadcast %get3A_8 : vector<512x1xf32> to vector<512x128xf32>
    %add3A_292 = vector.broadcast %get3A_290 : vector<1x128xf32> to vector<512x128xf32>
    %add3A_293 = arith.addf %add3A_291, %add3A_292 : vector<512x128xf32>
    %sub3A_294 = arith.subf %add3A_293, %dot_general3A_287 : vector<512x128xf32>
    %lt3A_295 = arith.cmpf olt, %sub3A_294, %min3A_279 : vector<512x128xf32>
    %min3A_296 = arith.minimumf %min3A_279, %sub3A_294 : vector<512x128xf32>
    %jit3A_297 = arith.constant 16 : i32
    %broadcast_in_dim3A_298 = vector.broadcast %jit3A_297 : i32 to vector<512x128xi32>
    %select_n3A_299 = arith.select %lt3A_295, %broadcast_in_dim3A_298, %select_n3A_282 : vector<512x128xi1>, vector<512x128xi32>
    %get3A_300 = arith.constant 2176 : index
    %get3A_301 = arith.constant 0 : index
    %get3A_302 = vector.load %arg4[%get3A_300, %get3A_301] : memref<8192x32xf32, #tpu.memory_space<vmem>>, vector<128x32xf32>
    %dot_general3A_303 = arith.constant dense<0.000000e+00> : vector<512x128xf32>
    %dot_general3A_304 = tpu.matmul %mul3A_5, %get3A_302, %dot_general3A_303 {dimension_numbers = #tpu.dot_dimension_numbers<[1], [1], [0], [0], [0, 0, 1, 0], [], []>, transpose_lhs_hint = false} : vector<512x32xf32>, vector<128x32xf32>, vector<512x128xf32> -> vector<512x128xf32>
    %get3A_305 = arith.constant 0 : index
    %get3A_306 = arith.constant 2176 : index
    %get3A_307 = vector.load %arg2[%get3A_305, %get3A_306] : memref<1x8192xf32, #tpu.memory_space<vmem>>, vector<1x128xf32>
    %add3A_308 = vector.broadcast %get3A_8 : vector<512x1xf32> to vector<512x128xf32>
    %add3A_309 = vector.broadcast %get3A_307 : vector<1x128xf32> to vector<512x128xf32>
    %add3A_310 = arith.addf %add3A_308, %add3A_309 : vector<512x128xf32>
    %sub3A_311 = arith.subf %add3A_310, %dot_general3A_304 : vector<512x128xf32>
    %lt3A_312 = arith.cmpf olt, %sub3A_311, %min3A_296 : vector<512x128xf32>
    %min3A_313 = arith.minimumf %min3A_296, %sub3A_311 : vector<512x128xf32>
    %jit3A_314 = arith.constant 17 : i32
    %broadcast_in_dim3A_315 = vector.broadcast %jit3A_314 : i32 to vector<512x128xi32>
    %select_n3A_316 = arith.select %lt3A_312, %broadcast_in_dim3A_315, %select_n3A_299 : vector<512x128xi1>, vector<512x128xi32>
    %get3A_317 = arith.constant 2304 : index
    %get3A_318 = arith.constant 0 : index
    %get3A_319 = vector.load %arg4[%get3A_317, %get3A_318] : memref<8192x32xf32, #tpu.memory_space<vmem>>, vector<128x32xf32>
    %dot_general3A_320 = arith.constant dense<0.000000e+00> : vector<512x128xf32>
    %dot_general3A_321 = tpu.matmul %mul3A_5, %get3A_319, %dot_general3A_320 {dimension_numbers = #tpu.dot_dimension_numbers<[1], [1], [0], [0], [0, 0, 1, 0], [], []>, transpose_lhs_hint = false} : vector<512x32xf32>, vector<128x32xf32>, vector<512x128xf32> -> vector<512x128xf32>
    %get3A_322 = arith.constant 0 : index
    %get3A_323 = arith.constant 2304 : index
    %get3A_324 = vector.load %arg2[%get3A_322, %get3A_323] : memref<1x8192xf32, #tpu.memory_space<vmem>>, vector<1x128xf32>
    %add3A_325 = vector.broadcast %get3A_8 : vector<512x1xf32> to vector<512x128xf32>
    %add3A_326 = vector.broadcast %get3A_324 : vector<1x128xf32> to vector<512x128xf32>
    %add3A_327 = arith.addf %add3A_325, %add3A_326 : vector<512x128xf32>
    %sub3A_328 = arith.subf %add3A_327, %dot_general3A_321 : vector<512x128xf32>
    %lt3A_329 = arith.cmpf olt, %sub3A_328, %min3A_313 : vector<512x128xf32>
    %min3A_330 = arith.minimumf %min3A_313, %sub3A_328 : vector<512x128xf32>
    %jit3A_331 = arith.constant 18 : i32
    %broadcast_in_dim3A_332 = vector.broadcast %jit3A_331 : i32 to vector<512x128xi32>
    %select_n3A_333 = arith.select %lt3A_329, %broadcast_in_dim3A_332, %select_n3A_316 : vector<512x128xi1>, vector<512x128xi32>
    %get3A_334 = arith.constant 2432 : index
    %get3A_335 = arith.constant 0 : index
    %get3A_336 = vector.load %arg4[%get3A_334, %get3A_335] : memref<8192x32xf32, #tpu.memory_space<vmem>>, vector<128x32xf32>
    %dot_general3A_337 = arith.constant dense<0.000000e+00> : vector<512x128xf32>
    %dot_general3A_338 = tpu.matmul %mul3A_5, %get3A_336, %dot_general3A_337 {dimension_numbers = #tpu.dot_dimension_numbers<[1], [1], [0], [0], [0, 0, 1, 0], [], []>, transpose_lhs_hint = false} : vector<512x32xf32>, vector<128x32xf32>, vector<512x128xf32> -> vector<512x128xf32>
    %get3A_339 = arith.constant 0 : index
    %get3A_340 = arith.constant 2432 : index
    %get3A_341 = vector.load %arg2[%get3A_339, %get3A_340] : memref<1x8192xf32, #tpu.memory_space<vmem>>, vector<1x128xf32>
    %add3A_342 = vector.broadcast %get3A_8 : vector<512x1xf32> to vector<512x128xf32>
    %add3A_343 = vector.broadcast %get3A_341 : vector<1x128xf32> to vector<512x128xf32>
    %add3A_344 = arith.addf %add3A_342, %add3A_343 : vector<512x128xf32>
    %sub3A_345 = arith.subf %add3A_344, %dot_general3A_338 : vector<512x128xf32>
    %lt3A_346 = arith.cmpf olt, %sub3A_345, %min3A_330 : vector<512x128xf32>
    %min3A_347 = arith.minimumf %min3A_330, %sub3A_345 : vector<512x128xf32>
    %jit3A_348 = arith.constant 19 : i32
    %broadcast_in_dim3A_349 = vector.broadcast %jit3A_348 : i32 to vector<512x128xi32>
    %select_n3A_350 = arith.select %lt3A_346, %broadcast_in_dim3A_349, %select_n3A_333 : vector<512x128xi1>, vector<512x128xi32>
    %get3A_351 = arith.constant 2560 : index
    %get3A_352 = arith.constant 0 : index
    %get3A_353 = vector.load %arg4[%get3A_351, %get3A_352] : memref<8192x32xf32, #tpu.memory_space<vmem>>, vector<128x32xf32>
    %dot_general3A_354 = arith.constant dense<0.000000e+00> : vector<512x128xf32>
    %dot_general3A_355 = tpu.matmul %mul3A_5, %get3A_353, %dot_general3A_354 {dimension_numbers = #tpu.dot_dimension_numbers<[1], [1], [0], [0], [0, 0, 1, 0], [], []>, transpose_lhs_hint = false} : vector<512x32xf32>, vector<128x32xf32>, vector<512x128xf32> -> vector<512x128xf32>
    %get3A_356 = arith.constant 0 : index
    %get3A_357 = arith.constant 2560 : index
    %get3A_358 = vector.load %arg2[%get3A_356, %get3A_357] : memref<1x8192xf32, #tpu.memory_space<vmem>>, vector<1x128xf32>
    %add3A_359 = vector.broadcast %get3A_8 : vector<512x1xf32> to vector<512x128xf32>
    %add3A_360 = vector.broadcast %get3A_358 : vector<1x128xf32> to vector<512x128xf32>
    %add3A_361 = arith.addf %add3A_359, %add3A_360 : vector<512x128xf32>
    %sub3A_362 = arith.subf %add3A_361, %dot_general3A_355 : vector<512x128xf32>
    %lt3A_363 = arith.cmpf olt, %sub3A_362, %min3A_347 : vector<512x128xf32>
    %min3A_364 = arith.minimumf %min3A_347, %sub3A_362 : vector<512x128xf32>
    %jit3A_365 = arith.constant 20 : i32
    %broadcast_in_dim3A_366 = vector.broadcast %jit3A_365 : i32 to vector<512x128xi32>
    %select_n3A_367 = arith.select %lt3A_363, %broadcast_in_dim3A_366, %select_n3A_350 : vector<512x128xi1>, vector<512x128xi32>
    %get3A_368 = arith.constant 2688 : index
    %get3A_369 = arith.constant 0 : index
    %get3A_370 = vector.load %arg4[%get3A_368, %get3A_369] : memref<8192x32xf32, #tpu.memory_space<vmem>>, vector<128x32xf32>
    %dot_general3A_371 = arith.constant dense<0.000000e+00> : vector<512x128xf32>
    %dot_general3A_372 = tpu.matmul %mul3A_5, %get3A_370, %dot_general3A_371 {dimension_numbers = #tpu.dot_dimension_numbers<[1], [1], [0], [0], [0, 0, 1, 0], [], []>, transpose_lhs_hint = false} : vector<512x32xf32>, vector<128x32xf32>, vector<512x128xf32> -> vector<512x128xf32>
    %get3A_373 = arith.constant 0 : index
    %get3A_374 = arith.constant 2688 : index
    %get3A_375 = vector.load %arg2[%get3A_373, %get3A_374] : memref<1x8192xf32, #tpu.memory_space<vmem>>, vector<1x128xf32>
    %add3A_376 = vector.broadcast %get3A_8 : vector<512x1xf32> to vector<512x128xf32>
    %add3A_377 = vector.broadcast %get3A_375 : vector<1x128xf32> to vector<512x128xf32>
    %add3A_378 = arith.addf %add3A_376, %add3A_377 : vector<512x128xf32>
    %sub3A_379 = arith.subf %add3A_378, %dot_general3A_372 : vector<512x128xf32>
    %lt3A_380 = arith.cmpf olt, %sub3A_379, %min3A_364 : vector<512x128xf32>
    %min3A_381 = arith.minimumf %min3A_364, %sub3A_379 : vector<512x128xf32>
    %jit3A_382 = arith.constant 21 : i32
    %broadcast_in_dim3A_383 = vector.broadcast %jit3A_382 : i32 to vector<512x128xi32>
    %select_n3A_384 = arith.select %lt3A_380, %broadcast_in_dim3A_383, %select_n3A_367 : vector<512x128xi1>, vector<512x128xi32>
    %get3A_385 = arith.constant 2816 : index
    %get3A_386 = arith.constant 0 : index
    %get3A_387 = vector.load %arg4[%get3A_385, %get3A_386] : memref<8192x32xf32, #tpu.memory_space<vmem>>, vector<128x32xf32>
    %dot_general3A_388 = arith.constant dense<0.000000e+00> : vector<512x128xf32>
    %dot_general3A_389 = tpu.matmul %mul3A_5, %get3A_387, %dot_general3A_388 {dimension_numbers = #tpu.dot_dimension_numbers<[1], [1], [0], [0], [0, 0, 1, 0], [], []>, transpose_lhs_hint = false} : vector<512x32xf32>, vector<128x32xf32>, vector<512x128xf32> -> vector<512x128xf32>
    %get3A_390 = arith.constant 0 : index
    %get3A_391 = arith.constant 2816 : index
    %get3A_392 = vector.load %arg2[%get3A_390, %get3A_391] : memref<1x8192xf32, #tpu.memory_space<vmem>>, vector<1x128xf32>
    %add3A_393 = vector.broadcast %get3A_8 : vector<512x1xf32> to vector<512x128xf32>
    %add3A_394 = vector.broadcast %get3A_392 : vector<1x128xf32> to vector<512x128xf32>
    %add3A_395 = arith.addf %add3A_393, %add3A_394 : vector<512x128xf32>
    %sub3A_396 = arith.subf %add3A_395, %dot_general3A_389 : vector<512x128xf32>
    %lt3A_397 = arith.cmpf olt, %sub3A_396, %min3A_381 : vector<512x128xf32>
    %min3A_398 = arith.minimumf %min3A_381, %sub3A_396 : vector<512x128xf32>
    %jit3A_399 = arith.constant 22 : i32
    %broadcast_in_dim3A_400 = vector.broadcast %jit3A_399 : i32 to vector<512x128xi32>
    %select_n3A_401 = arith.select %lt3A_397, %broadcast_in_dim3A_400, %select_n3A_384 : vector<512x128xi1>, vector<512x128xi32>
    %get3A_402 = arith.constant 2944 : index
    %get3A_403 = arith.constant 0 : index
    %get3A_404 = vector.load %arg4[%get3A_402, %get3A_403] : memref<8192x32xf32, #tpu.memory_space<vmem>>, vector<128x32xf32>
    %dot_general3A_405 = arith.constant dense<0.000000e+00> : vector<512x128xf32>
    %dot_general3A_406 = tpu.matmul %mul3A_5, %get3A_404, %dot_general3A_405 {dimension_numbers = #tpu.dot_dimension_numbers<[1], [1], [0], [0], [0, 0, 1, 0], [], []>, transpose_lhs_hint = false} : vector<512x32xf32>, vector<128x32xf32>, vector<512x128xf32> -> vector<512x128xf32>
    %get3A_407 = arith.constant 0 : index
    %get3A_408 = arith.constant 2944 : index
    %get3A_409 = vector.load %arg2[%get3A_407, %get3A_408] : memref<1x8192xf32, #tpu.memory_space<vmem>>, vector<1x128xf32>
    %add3A_410 = vector.broadcast %get3A_8 : vector<512x1xf32> to vector<512x128xf32>
    %add3A_411 = vector.broadcast %get3A_409 : vector<1x128xf32> to vector<512x128xf32>
    %add3A_412 = arith.addf %add3A_410, %add3A_411 : vector<512x128xf32>
    %sub3A_413 = arith.subf %add3A_412, %dot_general3A_406 : vector<512x128xf32>
    %lt3A_414 = arith.cmpf olt, %sub3A_413, %min3A_398 : vector<512x128xf32>
    %min3A_415 = arith.minimumf %min3A_398, %sub3A_413 : vector<512x128xf32>
    %jit3A_416 = arith.constant 23 : i32
    %broadcast_in_dim3A_417 = vector.broadcast %jit3A_416 : i32 to vector<512x128xi32>
    %select_n3A_418 = arith.select %lt3A_414, %broadcast_in_dim3A_417, %select_n3A_401 : vector<512x128xi1>, vector<512x128xi32>
    %get3A_419 = arith.constant 3072 : index
    %get3A_420 = arith.constant 0 : index
    %get3A_421 = vector.load %arg4[%get3A_419, %get3A_420] : memref<8192x32xf32, #tpu.memory_space<vmem>>, vector<128x32xf32>
    %dot_general3A_422 = arith.constant dense<0.000000e+00> : vector<512x128xf32>
    %dot_general3A_423 = tpu.matmul %mul3A_5, %get3A_421, %dot_general3A_422 {dimension_numbers = #tpu.dot_dimension_numbers<[1], [1], [0], [0], [0, 0, 1, 0], [], []>, transpose_lhs_hint = false} : vector<512x32xf32>, vector<128x32xf32>, vector<512x128xf32> -> vector<512x128xf32>
    %get3A_424 = arith.constant 0 : index
    %get3A_425 = arith.constant 3072 : index
    %get3A_426 = vector.load %arg2[%get3A_424, %get3A_425] : memref<1x8192xf32, #tpu.memory_space<vmem>>, vector<1x128xf32>
    %add3A_427 = vector.broadcast %get3A_8 : vector<512x1xf32> to vector<512x128xf32>
    %add3A_428 = vector.broadcast %get3A_426 : vector<1x128xf32> to vector<512x128xf32>
    %add3A_429 = arith.addf %add3A_427, %add3A_428 : vector<512x128xf32>
    %sub3A_430 = arith.subf %add3A_429, %dot_general3A_423 : vector<512x128xf32>
    %lt3A_431 = arith.cmpf olt, %sub3A_430, %min3A_415 : vector<512x128xf32>
    %min3A_432 = arith.minimumf %min3A_415, %sub3A_430 : vector<512x128xf32>
    %jit3A_433 = arith.constant 24 : i32
    %broadcast_in_dim3A_434 = vector.broadcast %jit3A_433 : i32 to vector<512x128xi32>
    %select_n3A_435 = arith.select %lt3A_431, %broadcast_in_dim3A_434, %select_n3A_418 : vector<512x128xi1>, vector<512x128xi32>
    %get3A_436 = arith.constant 3200 : index
    %get3A_437 = arith.constant 0 : index
    %get3A_438 = vector.load %arg4[%get3A_436, %get3A_437] : memref<8192x32xf32, #tpu.memory_space<vmem>>, vector<128x32xf32>
    %dot_general3A_439 = arith.constant dense<0.000000e+00> : vector<512x128xf32>
    %dot_general3A_440 = tpu.matmul %mul3A_5, %get3A_438, %dot_general3A_439 {dimension_numbers = #tpu.dot_dimension_numbers<[1], [1], [0], [0], [0, 0, 1, 0], [], []>, transpose_lhs_hint = false} : vector<512x32xf32>, vector<128x32xf32>, vector<512x128xf32> -> vector<512x128xf32>
    %get3A_441 = arith.constant 0 : index
    %get3A_442 = arith.constant 3200 : index
    %get3A_443 = vector.load %arg2[%get3A_441, %get3A_442] : memref<1x8192xf32, #tpu.memory_space<vmem>>, vector<1x128xf32>
    %add3A_444 = vector.broadcast %get3A_8 : vector<512x1xf32> to vector<512x128xf32>
    %add3A_445 = vector.broadcast %get3A_443 : vector<1x128xf32> to vector<512x128xf32>
    %add3A_446 = arith.addf %add3A_444, %add3A_445 : vector<512x128xf32>
    %sub3A_447 = arith.subf %add3A_446, %dot_general3A_440 : vector<512x128xf32>
    %lt3A_448 = arith.cmpf olt, %sub3A_447, %min3A_432 : vector<512x128xf32>
    %min3A_449 = arith.minimumf %min3A_432, %sub3A_447 : vector<512x128xf32>
    %jit3A_450 = arith.constant 25 : i32
    %broadcast_in_dim3A_451 = vector.broadcast %jit3A_450 : i32 to vector<512x128xi32>
    %select_n3A_452 = arith.select %lt3A_448, %broadcast_in_dim3A_451, %select_n3A_435 : vector<512x128xi1>, vector<512x128xi32>
    %get3A_453 = arith.constant 3328 : index
    %get3A_454 = arith.constant 0 : index
    %get3A_455 = vector.load %arg4[%get3A_453, %get3A_454] : memref<8192x32xf32, #tpu.memory_space<vmem>>, vector<128x32xf32>
    %dot_general3A_456 = arith.constant dense<0.000000e+00> : vector<512x128xf32>
    %dot_general3A_457 = tpu.matmul %mul3A_5, %get3A_455, %dot_general3A_456 {dimension_numbers = #tpu.dot_dimension_numbers<[1], [1], [0], [0], [0, 0, 1, 0], [], []>, transpose_lhs_hint = false} : vector<512x32xf32>, vector<128x32xf32>, vector<512x128xf32> -> vector<512x128xf32>
    %get3A_458 = arith.constant 0 : index
    %get3A_459 = arith.constant 3328 : index
    %get3A_460 = vector.load %arg2[%get3A_458, %get3A_459] : memref<1x8192xf32, #tpu.memory_space<vmem>>, vector<1x128xf32>
    %add3A_461 = vector.broadcast %get3A_8 : vector<512x1xf32> to vector<512x128xf32>
    %add3A_462 = vector.broadcast %get3A_460 : vector<1x128xf32> to vector<512x128xf32>
    %add3A_463 = arith.addf %add3A_461, %add3A_462 : vector<512x128xf32>
    %sub3A_464 = arith.subf %add3A_463, %dot_general3A_457 : vector<512x128xf32>
    %lt3A_465 = arith.cmpf olt, %sub3A_464, %min3A_449 : vector<512x128xf32>
    %min3A_466 = arith.minimumf %min3A_449, %sub3A_464 : vector<512x128xf32>
    %jit3A_467 = arith.constant 26 : i32
    %broadcast_in_dim3A_468 = vector.broadcast %jit3A_467 : i32 to vector<512x128xi32>
    %select_n3A_469 = arith.select %lt3A_465, %broadcast_in_dim3A_468, %select_n3A_452 : vector<512x128xi1>, vector<512x128xi32>
    %get3A_470 = arith.constant 3456 : index
    %get3A_471 = arith.constant 0 : index
    %get3A_472 = vector.load %arg4[%get3A_470, %get3A_471] : memref<8192x32xf32, #tpu.memory_space<vmem>>, vector<128x32xf32>
    %dot_general3A_473 = arith.constant dense<0.000000e+00> : vector<512x128xf32>
    %dot_general3A_474 = tpu.matmul %mul3A_5, %get3A_472, %dot_general3A_473 {dimension_numbers = #tpu.dot_dimension_numbers<[1], [1], [0], [0], [0, 0, 1, 0], [], []>, transpose_lhs_hint = false} : vector<512x32xf32>, vector<128x32xf32>, vector<512x128xf32> -> vector<512x128xf32>
    %get3A_475 = arith.constant 0 : index
    %get3A_476 = arith.constant 3456 : index
    %get3A_477 = vector.load %arg2[%get3A_475, %get3A_476] : memref<1x8192xf32, #tpu.memory_space<vmem>>, vector<1x128xf32>
    %add3A_478 = vector.broadcast %get3A_8 : vector<512x1xf32> to vector<512x128xf32>
    %add3A_479 = vector.broadcast %get3A_477 : vector<1x128xf32> to vector<512x128xf32>
    %add3A_480 = arith.addf %add3A_478, %add3A_479 : vector<512x128xf32>
    %sub3A_481 = arith.subf %add3A_480, %dot_general3A_474 : vector<512x128xf32>
    %lt3A_482 = arith.cmpf olt, %sub3A_481, %min3A_466 : vector<512x128xf32>
    %min3A_483 = arith.minimumf %min3A_466, %sub3A_481 : vector<512x128xf32>
    %jit3A_484 = arith.constant 27 : i32
    %broadcast_in_dim3A_485 = vector.broadcast %jit3A_484 : i32 to vector<512x128xi32>
    %select_n3A_486 = arith.select %lt3A_482, %broadcast_in_dim3A_485, %select_n3A_469 : vector<512x128xi1>, vector<512x128xi32>
    %get3A_487 = arith.constant 3584 : index
    %get3A_488 = arith.constant 0 : index
    %get3A_489 = vector.load %arg4[%get3A_487, %get3A_488] : memref<8192x32xf32, #tpu.memory_space<vmem>>, vector<128x32xf32>
    %dot_general3A_490 = arith.constant dense<0.000000e+00> : vector<512x128xf32>
    %dot_general3A_491 = tpu.matmul %mul3A_5, %get3A_489, %dot_general3A_490 {dimension_numbers = #tpu.dot_dimension_numbers<[1], [1], [0], [0], [0, 0, 1, 0], [], []>, transpose_lhs_hint = false} : vector<512x32xf32>, vector<128x32xf32>, vector<512x128xf32> -> vector<512x128xf32>
    %get3A_492 = arith.constant 0 : index
    %get3A_493 = arith.constant 3584 : index
    %get3A_494 = vector.load %arg2[%get3A_492, %get3A_493] : memref<1x8192xf32, #tpu.memory_space<vmem>>, vector<1x128xf32>
    %add3A_495 = vector.broadcast %get3A_8 : vector<512x1xf32> to vector<512x128xf32>
    %add3A_496 = vector.broadcast %get3A_494 : vector<1x128xf32> to vector<512x128xf32>
    %add3A_497 = arith.addf %add3A_495, %add3A_496 : vector<512x128xf32>
    %sub3A_498 = arith.subf %add3A_497, %dot_general3A_491 : vector<512x128xf32>
    %lt3A_499 = arith.cmpf olt, %sub3A_498, %min3A_483 : vector<512x128xf32>
    %min3A_500 = arith.minimumf %min3A_483, %sub3A_498 : vector<512x128xf32>
    %jit3A_501 = arith.constant 28 : i32
    %broadcast_in_dim3A_502 = vector.broadcast %jit3A_501 : i32 to vector<512x128xi32>
    %select_n3A_503 = arith.select %lt3A_499, %broadcast_in_dim3A_502, %select_n3A_486 : vector<512x128xi1>, vector<512x128xi32>
    %get3A_504 = arith.constant 3712 : index
    %get3A_505 = arith.constant 0 : index
    %get3A_506 = vector.load %arg4[%get3A_504, %get3A_505] : memref<8192x32xf32, #tpu.memory_space<vmem>>, vector<128x32xf32>
    %dot_general3A_507 = arith.constant dense<0.000000e+00> : vector<512x128xf32>
    %dot_general3A_508 = tpu.matmul %mul3A_5, %get3A_506, %dot_general3A_507 {dimension_numbers = #tpu.dot_dimension_numbers<[1], [1], [0], [0], [0, 0, 1, 0], [], []>, transpose_lhs_hint = false} : vector<512x32xf32>, vector<128x32xf32>, vector<512x128xf32> -> vector<512x128xf32>
    %get3A_509 = arith.constant 0 : index
    %get3A_510 = arith.constant 3712 : index
    %get3A_511 = vector.load %arg2[%get3A_509, %get3A_510] : memref<1x8192xf32, #tpu.memory_space<vmem>>, vector<1x128xf32>
    %add3A_512 = vector.broadcast %get3A_8 : vector<512x1xf32> to vector<512x128xf32>
    %add3A_513 = vector.broadcast %get3A_511 : vector<1x128xf32> to vector<512x128xf32>
    %add3A_514 = arith.addf %add3A_512, %add3A_513 : vector<512x128xf32>
    %sub3A_515 = arith.subf %add3A_514, %dot_general3A_508 : vector<512x128xf32>
    %lt3A_516 = arith.cmpf olt, %sub3A_515, %min3A_500 : vector<512x128xf32>
    %min3A_517 = arith.minimumf %min3A_500, %sub3A_515 : vector<512x128xf32>
    %jit3A_518 = arith.constant 29 : i32
    %broadcast_in_dim3A_519 = vector.broadcast %jit3A_518 : i32 to vector<512x128xi32>
    %select_n3A_520 = arith.select %lt3A_516, %broadcast_in_dim3A_519, %select_n3A_503 : vector<512x128xi1>, vector<512x128xi32>
    %get3A_521 = arith.constant 3840 : index
    %get3A_522 = arith.constant 0 : index
    %get3A_523 = vector.load %arg4[%get3A_521, %get3A_522] : memref<8192x32xf32, #tpu.memory_space<vmem>>, vector<128x32xf32>
    %dot_general3A_524 = arith.constant dense<0.000000e+00> : vector<512x128xf32>
    %dot_general3A_525 = tpu.matmul %mul3A_5, %get3A_523, %dot_general3A_524 {dimension_numbers = #tpu.dot_dimension_numbers<[1], [1], [0], [0], [0, 0, 1, 0], [], []>, transpose_lhs_hint = false} : vector<512x32xf32>, vector<128x32xf32>, vector<512x128xf32> -> vector<512x128xf32>
    %get3A_526 = arith.constant 0 : index
    %get3A_527 = arith.constant 3840 : index
    %get3A_528 = vector.load %arg2[%get3A_526, %get3A_527] : memref<1x8192xf32, #tpu.memory_space<vmem>>, vector<1x128xf32>
    %add3A_529 = vector.broadcast %get3A_8 : vector<512x1xf32> to vector<512x128xf32>
    %add3A_530 = vector.broadcast %get3A_528 : vector<1x128xf32> to vector<512x128xf32>
    %add3A_531 = arith.addf %add3A_529, %add3A_530 : vector<512x128xf32>
    %sub3A_532 = arith.subf %add3A_531, %dot_general3A_525 : vector<512x128xf32>
    %lt3A_533 = arith.cmpf olt, %sub3A_532, %min3A_517 : vector<512x128xf32>
    %min3A_534 = arith.minimumf %min3A_517, %sub3A_532 : vector<512x128xf32>
    %jit3A_535 = arith.constant 30 : i32
    %broadcast_in_dim3A_536 = vector.broadcast %jit3A_535 : i32 to vector<512x128xi32>
    %select_n3A_537 = arith.select %lt3A_533, %broadcast_in_dim3A_536, %select_n3A_520 : vector<512x128xi1>, vector<512x128xi32>
    %get3A_538 = arith.constant 3968 : index
    %get3A_539 = arith.constant 0 : index
    %get3A_540 = vector.load %arg4[%get3A_538, %get3A_539] : memref<8192x32xf32, #tpu.memory_space<vmem>>, vector<128x32xf32>
    %dot_general3A_541 = arith.constant dense<0.000000e+00> : vector<512x128xf32>
    %dot_general3A_542 = tpu.matmul %mul3A_5, %get3A_540, %dot_general3A_541 {dimension_numbers = #tpu.dot_dimension_numbers<[1], [1], [0], [0], [0, 0, 1, 0], [], []>, transpose_lhs_hint = false} : vector<512x32xf32>, vector<128x32xf32>, vector<512x128xf32> -> vector<512x128xf32>
    %get3A_543 = arith.constant 0 : index
    %get3A_544 = arith.constant 3968 : index
    %get3A_545 = vector.load %arg2[%get3A_543, %get3A_544] : memref<1x8192xf32, #tpu.memory_space<vmem>>, vector<1x128xf32>
    %add3A_546 = vector.broadcast %get3A_8 : vector<512x1xf32> to vector<512x128xf32>
    %add3A_547 = vector.broadcast %get3A_545 : vector<1x128xf32> to vector<512x128xf32>
    %add3A_548 = arith.addf %add3A_546, %add3A_547 : vector<512x128xf32>
    %sub3A_549 = arith.subf %add3A_548, %dot_general3A_542 : vector<512x128xf32>
    %lt3A_550 = arith.cmpf olt, %sub3A_549, %min3A_534 : vector<512x128xf32>
    %min3A_551 = arith.minimumf %min3A_534, %sub3A_549 : vector<512x128xf32>
    %jit3A_552 = arith.constant 31 : i32
    %broadcast_in_dim3A_553 = vector.broadcast %jit3A_552 : i32 to vector<512x128xi32>
    %select_n3A_554 = arith.select %lt3A_550, %broadcast_in_dim3A_553, %select_n3A_537 : vector<512x128xi1>, vector<512x128xi32>
    %mul3A_555 = arith.constant 128 : i32
    %mul3A_556 = vector.broadcast %mul3A_555 : i32 to vector<512x128xi32>
    %mul3A_557 = arith.muli %select_n3A_554, %mul3A_556 : vector<512x128xi32>
    %add3A_558 = arith.addi %iota3A, %mul3A_557 : vector<512x128xi32>
    %reduce_min3A = arith.constant dense<0x7F800000> : vector<512xf32>
    %reduce_min3A_559 = vector.multi_reduction <minimumf>, %min3A_551, %reduce_min3A [1] : vector<512x128xf32> to vector<512xf32>
    %broadcast_in_dim3A_560 = vector.shape_cast %reduce_min3A_559 : vector<512xf32> to vector<512x1xf32>
    %eq3A_561 = vector.broadcast %broadcast_in_dim3A_560 : vector<512x1xf32> to vector<512x128xf32>
    %eq3A_562 = arith.cmpf oeq, %min3A_551, %eq3A_561 : vector<512x128xf32>
    %jit3A_563 = arith.constant 8192 : i32
    %broadcast_in_dim3A_564 = vector.broadcast %jit3A_563 : i32 to vector<512x128xi32>
    %select_n3A_565 = arith.select %eq3A_562, %add3A_558, %broadcast_in_dim3A_564 : vector<512x128xi1>, vector<512x128xi32>
    %reduce_min3A_566 = arith.constant dense<2147483647> : vector<512xi32>
    %reduce_min3A_567 = vector.multi_reduction <minsi>, %select_n3A_565, %reduce_min3A_566 [1] : vector<512x128xi32> to vector<512xi32>
    %broadcast_in_dim3A_568 = vector.shape_cast %reduce_min3A_567 : vector<512xi32> to vector<512x1xi32>
    %lt3A_569 = arith.cmpf olt, %broadcast_in_dim3A_9, %broadcast_in_dim3A_560 : vector<512x1xf32>
    %eq3A_570 = arith.cmpf oeq, %broadcast_in_dim3A_9, %broadcast_in_dim3A_560 : vector<512x1xf32>
    %lt3A_571 = arith.cmpi slt, %broadcast_in_dim3A_13, %broadcast_in_dim3A_568 : vector<512x1xi32>
    %and3A = arith.andi %eq3A_570, %lt3A_571 : vector<512x1xi1>
    %or3A = arith.ori %lt3A_569, %and3A : vector<512x1xi1>
    %select_n3A_572 = arith.select %or3A, %broadcast_in_dim3A_13, %broadcast_in_dim3A_568 : vector<512x1xi1>, vector<512x1xi32>
    %select_n3A_573 = arith.select %or3A, %broadcast_in_dim3A_11, %broadcast_in_dim3A_560 : vector<512x1xi1>, vector<512x1xf32>
    %select_n3A_574 = arith.select %or3A, %broadcast_in_dim3A_9, %broadcast_in_dim3A_560 : vector<512x1xi1>, vector<512x1xf32>
    %convert_element_type3A_575 = arith.truncf %select_n3A_574 : vector<512x1xf32> to vector<512x1xbf16>
    %convert_element_type3A_576 = arith.extf %convert_element_type3A_575 : vector<512x1xbf16> to vector<512x1xf32>
    %broadcast_in_dim3A_577 = arith.constant 0x7F800000 : f32
    %broadcast_in_dim3A_578 = vector.broadcast %broadcast_in_dim3A_577 : f32 to vector<512x128xf32>
    %broadcast_in_dim3A_579 = arith.constant 0 : i32
    %broadcast_in_dim3A_580 = vector.broadcast %broadcast_in_dim3A_579 : i32 to vector<512x128xi32>
    %get3A_581 = arith.constant 4096 : index
    %get3A_582 = arith.constant 0 : index
    %get3A_583 = vector.load %arg4[%get3A_581, %get3A_582] : memref<8192x32xf32, #tpu.memory_space<vmem>>, vector<128x32xf32>
    %dot_general3A_584 = arith.constant dense<0.000000e+00> : vector<512x128xf32>
    %dot_general3A_585 = tpu.matmul %mul3A_5, %get3A_583, %dot_general3A_584 {dimension_numbers = #tpu.dot_dimension_numbers<[1], [1], [0], [0], [0, 0, 1, 0], [], []>, transpose_lhs_hint = false} : vector<512x32xf32>, vector<128x32xf32>, vector<512x128xf32> -> vector<512x128xf32>
    %get3A_586 = arith.constant 0 : index
    %get3A_587 = arith.constant 4096 : index
    %get3A_588 = vector.load %arg2[%get3A_586, %get3A_587] : memref<1x8192xf32, #tpu.memory_space<vmem>>, vector<1x128xf32>
    %add3A_589 = vector.broadcast %get3A_8 : vector<512x1xf32> to vector<512x128xf32>
    %add3A_590 = vector.broadcast %get3A_588 : vector<1x128xf32> to vector<512x128xf32>
    %add3A_591 = arith.addf %add3A_589, %add3A_590 : vector<512x128xf32>
    %sub3A_592 = arith.subf %add3A_591, %dot_general3A_585 : vector<512x128xf32>
    %lt3A_593 = arith.cmpf olt, %sub3A_592, %broadcast_in_dim3A_578 : vector<512x128xf32>
    %min3A_594 = arith.minimumf %broadcast_in_dim3A_578, %sub3A_592 : vector<512x128xf32>
    %jit3A_595 = arith.constant 32 : i32
    %broadcast_in_dim3A_596 = vector.broadcast %jit3A_595 : i32 to vector<512x128xi32>
    %select_n3A_597 = arith.select %lt3A_593, %broadcast_in_dim3A_596, %broadcast_in_dim3A_580 : vector<512x128xi1>, vector<512x128xi32>
    %get3A_598 = arith.constant 4224 : index
    %get3A_599 = arith.constant 0 : index
    %get3A_600 = vector.load %arg4[%get3A_598, %get3A_599] : memref<8192x32xf32, #tpu.memory_space<vmem>>, vector<128x32xf32>
    %dot_general3A_601 = arith.constant dense<0.000000e+00> : vector<512x128xf32>
    %dot_general3A_602 = tpu.matmul %mul3A_5, %get3A_600, %dot_general3A_601 {dimension_numbers = #tpu.dot_dimension_numbers<[1], [1], [0], [0], [0, 0, 1, 0], [], []>, transpose_lhs_hint = false} : vector<512x32xf32>, vector<128x32xf32>, vector<512x128xf32> -> vector<512x128xf32>
    %get3A_603 = arith.constant 0 : index
    %get3A_604 = arith.constant 4224 : index
    %get3A_605 = vector.load %arg2[%get3A_603, %get3A_604] : memref<1x8192xf32, #tpu.memory_space<vmem>>, vector<1x128xf32>
    %add3A_606 = vector.broadcast %get3A_8 : vector<512x1xf32> to vector<512x128xf32>
    %add3A_607 = vector.broadcast %get3A_605 : vector<1x128xf32> to vector<512x128xf32>
    %add3A_608 = arith.addf %add3A_606, %add3A_607 : vector<512x128xf32>
    %sub3A_609 = arith.subf %add3A_608, %dot_general3A_602 : vector<512x128xf32>
    %lt3A_610 = arith.cmpf olt, %sub3A_609, %min3A_594 : vector<512x128xf32>
    %min3A_611 = arith.minimumf %min3A_594, %sub3A_609 : vector<512x128xf32>
    %jit3A_612 = arith.constant 33 : i32
    %broadcast_in_dim3A_613 = vector.broadcast %jit3A_612 : i32 to vector<512x128xi32>
    %select_n3A_614 = arith.select %lt3A_610, %broadcast_in_dim3A_613, %select_n3A_597 : vector<512x128xi1>, vector<512x128xi32>
    %get3A_615 = arith.constant 4352 : index
    %get3A_616 = arith.constant 0 : index
    %get3A_617 = vector.load %arg4[%get3A_615, %get3A_616] : memref<8192x32xf32, #tpu.memory_space<vmem>>, vector<128x32xf32>
    %dot_general3A_618 = arith.constant dense<0.000000e+00> : vector<512x128xf32>
    %dot_general3A_619 = tpu.matmul %mul3A_5, %get3A_617, %dot_general3A_618 {dimension_numbers = #tpu.dot_dimension_numbers<[1], [1], [0], [0], [0, 0, 1, 0], [], []>, transpose_lhs_hint = false} : vector<512x32xf32>, vector<128x32xf32>, vector<512x128xf32> -> vector<512x128xf32>
    %get3A_620 = arith.constant 0 : index
    %get3A_621 = arith.constant 4352 : index
    %get3A_622 = vector.load %arg2[%get3A_620, %get3A_621] : memref<1x8192xf32, #tpu.memory_space<vmem>>, vector<1x128xf32>
    %add3A_623 = vector.broadcast %get3A_8 : vector<512x1xf32> to vector<512x128xf32>
    %add3A_624 = vector.broadcast %get3A_622 : vector<1x128xf32> to vector<512x128xf32>
    %add3A_625 = arith.addf %add3A_623, %add3A_624 : vector<512x128xf32>
    %sub3A_626 = arith.subf %add3A_625, %dot_general3A_619 : vector<512x128xf32>
    %lt3A_627 = arith.cmpf olt, %sub3A_626, %min3A_611 : vector<512x128xf32>
    %min3A_628 = arith.minimumf %min3A_611, %sub3A_626 : vector<512x128xf32>
    %jit3A_629 = arith.constant 34 : i32
    %broadcast_in_dim3A_630 = vector.broadcast %jit3A_629 : i32 to vector<512x128xi32>
    %select_n3A_631 = arith.select %lt3A_627, %broadcast_in_dim3A_630, %select_n3A_614 : vector<512x128xi1>, vector<512x128xi32>
    %get3A_632 = arith.constant 4480 : index
    %get3A_633 = arith.constant 0 : index
    %get3A_634 = vector.load %arg4[%get3A_632, %get3A_633] : memref<8192x32xf32, #tpu.memory_space<vmem>>, vector<128x32xf32>
    %dot_general3A_635 = arith.constant dense<0.000000e+00> : vector<512x128xf32>
    %dot_general3A_636 = tpu.matmul %mul3A_5, %get3A_634, %dot_general3A_635 {dimension_numbers = #tpu.dot_dimension_numbers<[1], [1], [0], [0], [0, 0, 1, 0], [], []>, transpose_lhs_hint = false} : vector<512x32xf32>, vector<128x32xf32>, vector<512x128xf32> -> vector<512x128xf32>
    %get3A_637 = arith.constant 0 : index
    %get3A_638 = arith.constant 4480 : index
    %get3A_639 = vector.load %arg2[%get3A_637, %get3A_638] : memref<1x8192xf32, #tpu.memory_space<vmem>>, vector<1x128xf32>
    %add3A_640 = vector.broadcast %get3A_8 : vector<512x1xf32> to vector<512x128xf32>
    %add3A_641 = vector.broadcast %get3A_639 : vector<1x128xf32> to vector<512x128xf32>
    %add3A_642 = arith.addf %add3A_640, %add3A_641 : vector<512x128xf32>
    %sub3A_643 = arith.subf %add3A_642, %dot_general3A_636 : vector<512x128xf32>
    %lt3A_644 = arith.cmpf olt, %sub3A_643, %min3A_628 : vector<512x128xf32>
    %min3A_645 = arith.minimumf %min3A_628, %sub3A_643 : vector<512x128xf32>
    %jit3A_646 = arith.constant 35 : i32
    %broadcast_in_dim3A_647 = vector.broadcast %jit3A_646 : i32 to vector<512x128xi32>
    %select_n3A_648 = arith.select %lt3A_644, %broadcast_in_dim3A_647, %select_n3A_631 : vector<512x128xi1>, vector<512x128xi32>
    %get3A_649 = arith.constant 4608 : index
    %get3A_650 = arith.constant 0 : index
    %get3A_651 = vector.load %arg4[%get3A_649, %get3A_650] : memref<8192x32xf32, #tpu.memory_space<vmem>>, vector<128x32xf32>
    %dot_general3A_652 = arith.constant dense<0.000000e+00> : vector<512x128xf32>
    %dot_general3A_653 = tpu.matmul %mul3A_5, %get3A_651, %dot_general3A_652 {dimension_numbers = #tpu.dot_dimension_numbers<[1], [1], [0], [0], [0, 0, 1, 0], [], []>, transpose_lhs_hint = false} : vector<512x32xf32>, vector<128x32xf32>, vector<512x128xf32> -> vector<512x128xf32>
    %get3A_654 = arith.constant 0 : index
    %get3A_655 = arith.constant 4608 : index
    %get3A_656 = vector.load %arg2[%get3A_654, %get3A_655] : memref<1x8192xf32, #tpu.memory_space<vmem>>, vector<1x128xf32>
    %add3A_657 = vector.broadcast %get3A_8 : vector<512x1xf32> to vector<512x128xf32>
    %add3A_658 = vector.broadcast %get3A_656 : vector<1x128xf32> to vector<512x128xf32>
    %add3A_659 = arith.addf %add3A_657, %add3A_658 : vector<512x128xf32>
    %sub3A_660 = arith.subf %add3A_659, %dot_general3A_653 : vector<512x128xf32>
    %lt3A_661 = arith.cmpf olt, %sub3A_660, %min3A_645 : vector<512x128xf32>
    %min3A_662 = arith.minimumf %min3A_645, %sub3A_660 : vector<512x128xf32>
    %jit3A_663 = arith.constant 36 : i32
    %broadcast_in_dim3A_664 = vector.broadcast %jit3A_663 : i32 to vector<512x128xi32>
    %select_n3A_665 = arith.select %lt3A_661, %broadcast_in_dim3A_664, %select_n3A_648 : vector<512x128xi1>, vector<512x128xi32>
    %get3A_666 = arith.constant 4736 : index
    %get3A_667 = arith.constant 0 : index
    %get3A_668 = vector.load %arg4[%get3A_666, %get3A_667] : memref<8192x32xf32, #tpu.memory_space<vmem>>, vector<128x32xf32>
    %dot_general3A_669 = arith.constant dense<0.000000e+00> : vector<512x128xf32>
    %dot_general3A_670 = tpu.matmul %mul3A_5, %get3A_668, %dot_general3A_669 {dimension_numbers = #tpu.dot_dimension_numbers<[1], [1], [0], [0], [0, 0, 1, 0], [], []>, transpose_lhs_hint = false} : vector<512x32xf32>, vector<128x32xf32>, vector<512x128xf32> -> vector<512x128xf32>
    %get3A_671 = arith.constant 0 : index
    %get3A_672 = arith.constant 4736 : index
    %get3A_673 = vector.load %arg2[%get3A_671, %get3A_672] : memref<1x8192xf32, #tpu.memory_space<vmem>>, vector<1x128xf32>
    %add3A_674 = vector.broadcast %get3A_8 : vector<512x1xf32> to vector<512x128xf32>
    %add3A_675 = vector.broadcast %get3A_673 : vector<1x128xf32> to vector<512x128xf32>
    %add3A_676 = arith.addf %add3A_674, %add3A_675 : vector<512x128xf32>
    %sub3A_677 = arith.subf %add3A_676, %dot_general3A_670 : vector<512x128xf32>
    %lt3A_678 = arith.cmpf olt, %sub3A_677, %min3A_662 : vector<512x128xf32>
    %min3A_679 = arith.minimumf %min3A_662, %sub3A_677 : vector<512x128xf32>
    %jit3A_680 = arith.constant 37 : i32
    %broadcast_in_dim3A_681 = vector.broadcast %jit3A_680 : i32 to vector<512x128xi32>
    %select_n3A_682 = arith.select %lt3A_678, %broadcast_in_dim3A_681, %select_n3A_665 : vector<512x128xi1>, vector<512x128xi32>
    %get3A_683 = arith.constant 4864 : index
    %get3A_684 = arith.constant 0 : index
    %get3A_685 = vector.load %arg4[%get3A_683, %get3A_684] : memref<8192x32xf32, #tpu.memory_space<vmem>>, vector<128x32xf32>
    %dot_general3A_686 = arith.constant dense<0.000000e+00> : vector<512x128xf32>
    %dot_general3A_687 = tpu.matmul %mul3A_5, %get3A_685, %dot_general3A_686 {dimension_numbers = #tpu.dot_dimension_numbers<[1], [1], [0], [0], [0, 0, 1, 0], [], []>, transpose_lhs_hint = false} : vector<512x32xf32>, vector<128x32xf32>, vector<512x128xf32> -> vector<512x128xf32>
    %get3A_688 = arith.constant 0 : index
    %get3A_689 = arith.constant 4864 : index
    %get3A_690 = vector.load %arg2[%get3A_688, %get3A_689] : memref<1x8192xf32, #tpu.memory_space<vmem>>, vector<1x128xf32>
    %add3A_691 = vector.broadcast %get3A_8 : vector<512x1xf32> to vector<512x128xf32>
    %add3A_692 = vector.broadcast %get3A_690 : vector<1x128xf32> to vector<512x128xf32>
    %add3A_693 = arith.addf %add3A_691, %add3A_692 : vector<512x128xf32>
    %sub3A_694 = arith.subf %add3A_693, %dot_general3A_687 : vector<512x128xf32>
    %lt3A_695 = arith.cmpf olt, %sub3A_694, %min3A_679 : vector<512x128xf32>
    %min3A_696 = arith.minimumf %min3A_679, %sub3A_694 : vector<512x128xf32>
    %jit3A_697 = arith.constant 38 : i32
    %broadcast_in_dim3A_698 = vector.broadcast %jit3A_697 : i32 to vector<512x128xi32>
    %select_n3A_699 = arith.select %lt3A_695, %broadcast_in_dim3A_698, %select_n3A_682 : vector<512x128xi1>, vector<512x128xi32>
    %get3A_700 = arith.constant 4992 : index
    %get3A_701 = arith.constant 0 : index
    %get3A_702 = vector.load %arg4[%get3A_700, %get3A_701] : memref<8192x32xf32, #tpu.memory_space<vmem>>, vector<128x32xf32>
    %dot_general3A_703 = arith.constant dense<0.000000e+00> : vector<512x128xf32>
    %dot_general3A_704 = tpu.matmul %mul3A_5, %get3A_702, %dot_general3A_703 {dimension_numbers = #tpu.dot_dimension_numbers<[1], [1], [0], [0], [0, 0, 1, 0], [], []>, transpose_lhs_hint = false} : vector<512x32xf32>, vector<128x32xf32>, vector<512x128xf32> -> vector<512x128xf32>
    %get3A_705 = arith.constant 0 : index
    %get3A_706 = arith.constant 4992 : index
    %get3A_707 = vector.load %arg2[%get3A_705, %get3A_706] : memref<1x8192xf32, #tpu.memory_space<vmem>>, vector<1x128xf32>
    %add3A_708 = vector.broadcast %get3A_8 : vector<512x1xf32> to vector<512x128xf32>
    %add3A_709 = vector.broadcast %get3A_707 : vector<1x128xf32> to vector<512x128xf32>
    %add3A_710 = arith.addf %add3A_708, %add3A_709 : vector<512x128xf32>
    %sub3A_711 = arith.subf %add3A_710, %dot_general3A_704 : vector<512x128xf32>
    %lt3A_712 = arith.cmpf olt, %sub3A_711, %min3A_696 : vector<512x128xf32>
    %min3A_713 = arith.minimumf %min3A_696, %sub3A_711 : vector<512x128xf32>
    %jit3A_714 = arith.constant 39 : i32
    %broadcast_in_dim3A_715 = vector.broadcast %jit3A_714 : i32 to vector<512x128xi32>
    %select_n3A_716 = arith.select %lt3A_712, %broadcast_in_dim3A_715, %select_n3A_699 : vector<512x128xi1>, vector<512x128xi32>
    %get3A_717 = arith.constant 5120 : index
    %get3A_718 = arith.constant 0 : index
    %get3A_719 = vector.load %arg4[%get3A_717, %get3A_718] : memref<8192x32xf32, #tpu.memory_space<vmem>>, vector<128x32xf32>
    %dot_general3A_720 = arith.constant dense<0.000000e+00> : vector<512x128xf32>
    %dot_general3A_721 = tpu.matmul %mul3A_5, %get3A_719, %dot_general3A_720 {dimension_numbers = #tpu.dot_dimension_numbers<[1], [1], [0], [0], [0, 0, 1, 0], [], []>, transpose_lhs_hint = false} : vector<512x32xf32>, vector<128x32xf32>, vector<512x128xf32> -> vector<512x128xf32>
    %get3A_722 = arith.constant 0 : index
    %get3A_723 = arith.constant 5120 : index
    %get3A_724 = vector.load %arg2[%get3A_722, %get3A_723] : memref<1x8192xf32, #tpu.memory_space<vmem>>, vector<1x128xf32>
    %add3A_725 = vector.broadcast %get3A_8 : vector<512x1xf32> to vector<512x128xf32>
    %add3A_726 = vector.broadcast %get3A_724 : vector<1x128xf32> to vector<512x128xf32>
    %add3A_727 = arith.addf %add3A_725, %add3A_726 : vector<512x128xf32>
    %sub3A_728 = arith.subf %add3A_727, %dot_general3A_721 : vector<512x128xf32>
    %lt3A_729 = arith.cmpf olt, %sub3A_728, %min3A_713 : vector<512x128xf32>
    %min3A_730 = arith.minimumf %min3A_713, %sub3A_728 : vector<512x128xf32>
    %jit3A_731 = arith.constant 40 : i32
    %broadcast_in_dim3A_732 = vector.broadcast %jit3A_731 : i32 to vector<512x128xi32>
    %select_n3A_733 = arith.select %lt3A_729, %broadcast_in_dim3A_732, %select_n3A_716 : vector<512x128xi1>, vector<512x128xi32>
    %get3A_734 = arith.constant 5248 : index
    %get3A_735 = arith.constant 0 : index
    %get3A_736 = vector.load %arg4[%get3A_734, %get3A_735] : memref<8192x32xf32, #tpu.memory_space<vmem>>, vector<128x32xf32>
    %dot_general3A_737 = arith.constant dense<0.000000e+00> : vector<512x128xf32>
    %dot_general3A_738 = tpu.matmul %mul3A_5, %get3A_736, %dot_general3A_737 {dimension_numbers = #tpu.dot_dimension_numbers<[1], [1], [0], [0], [0, 0, 1, 0], [], []>, transpose_lhs_hint = false} : vector<512x32xf32>, vector<128x32xf32>, vector<512x128xf32> -> vector<512x128xf32>
    %get3A_739 = arith.constant 0 : index
    %get3A_740 = arith.constant 5248 : index
    %get3A_741 = vector.load %arg2[%get3A_739, %get3A_740] : memref<1x8192xf32, #tpu.memory_space<vmem>>, vector<1x128xf32>
    %add3A_742 = vector.broadcast %get3A_8 : vector<512x1xf32> to vector<512x128xf32>
    %add3A_743 = vector.broadcast %get3A_741 : vector<1x128xf32> to vector<512x128xf32>
    %add3A_744 = arith.addf %add3A_742, %add3A_743 : vector<512x128xf32>
    %sub3A_745 = arith.subf %add3A_744, %dot_general3A_738 : vector<512x128xf32>
    %lt3A_746 = arith.cmpf olt, %sub3A_745, %min3A_730 : vector<512x128xf32>
    %min3A_747 = arith.minimumf %min3A_730, %sub3A_745 : vector<512x128xf32>
    %jit3A_748 = arith.constant 41 : i32
    %broadcast_in_dim3A_749 = vector.broadcast %jit3A_748 : i32 to vector<512x128xi32>
    %select_n3A_750 = arith.select %lt3A_746, %broadcast_in_dim3A_749, %select_n3A_733 : vector<512x128xi1>, vector<512x128xi32>
    %get3A_751 = arith.constant 5376 : index
    %get3A_752 = arith.constant 0 : index
    %get3A_753 = vector.load %arg4[%get3A_751, %get3A_752] : memref<8192x32xf32, #tpu.memory_space<vmem>>, vector<128x32xf32>
    %dot_general3A_754 = arith.constant dense<0.000000e+00> : vector<512x128xf32>
    %dot_general3A_755 = tpu.matmul %mul3A_5, %get3A_753, %dot_general3A_754 {dimension_numbers = #tpu.dot_dimension_numbers<[1], [1], [0], [0], [0, 0, 1, 0], [], []>, transpose_lhs_hint = false} : vector<512x32xf32>, vector<128x32xf32>, vector<512x128xf32> -> vector<512x128xf32>
    %get3A_756 = arith.constant 0 : index
    %get3A_757 = arith.constant 5376 : index
    %get3A_758 = vector.load %arg2[%get3A_756, %get3A_757] : memref<1x8192xf32, #tpu.memory_space<vmem>>, vector<1x128xf32>
    %add3A_759 = vector.broadcast %get3A_8 : vector<512x1xf32> to vector<512x128xf32>
    %add3A_760 = vector.broadcast %get3A_758 : vector<1x128xf32> to vector<512x128xf32>
    %add3A_761 = arith.addf %add3A_759, %add3A_760 : vector<512x128xf32>
    %sub3A_762 = arith.subf %add3A_761, %dot_general3A_755 : vector<512x128xf32>
    %lt3A_763 = arith.cmpf olt, %sub3A_762, %min3A_747 : vector<512x128xf32>
    %min3A_764 = arith.minimumf %min3A_747, %sub3A_762 : vector<512x128xf32>
    %jit3A_765 = arith.constant 42 : i32
    %broadcast_in_dim3A_766 = vector.broadcast %jit3A_765 : i32 to vector<512x128xi32>
    %select_n3A_767 = arith.select %lt3A_763, %broadcast_in_dim3A_766, %select_n3A_750 : vector<512x128xi1>, vector<512x128xi32>
    %get3A_768 = arith.constant 5504 : index
    %get3A_769 = arith.constant 0 : index
    %get3A_770 = vector.load %arg4[%get3A_768, %get3A_769] : memref<8192x32xf32, #tpu.memory_space<vmem>>, vector<128x32xf32>
    %dot_general3A_771 = arith.constant dense<0.000000e+00> : vector<512x128xf32>
    %dot_general3A_772 = tpu.matmul %mul3A_5, %get3A_770, %dot_general3A_771 {dimension_numbers = #tpu.dot_dimension_numbers<[1], [1], [0], [0], [0, 0, 1, 0], [], []>, transpose_lhs_hint = false} : vector<512x32xf32>, vector<128x32xf32>, vector<512x128xf32> -> vector<512x128xf32>
    %get3A_773 = arith.constant 0 : index
    %get3A_774 = arith.constant 5504 : index
    %get3A_775 = vector.load %arg2[%get3A_773, %get3A_774] : memref<1x8192xf32, #tpu.memory_space<vmem>>, vector<1x128xf32>
    %add3A_776 = vector.broadcast %get3A_8 : vector<512x1xf32> to vector<512x128xf32>
    %add3A_777 = vector.broadcast %get3A_775 : vector<1x128xf32> to vector<512x128xf32>
    %add3A_778 = arith.addf %add3A_776, %add3A_777 : vector<512x128xf32>
    %sub3A_779 = arith.subf %add3A_778, %dot_general3A_772 : vector<512x128xf32>
    %lt3A_780 = arith.cmpf olt, %sub3A_779, %min3A_764 : vector<512x128xf32>
    %min3A_781 = arith.minimumf %min3A_764, %sub3A_779 : vector<512x128xf32>
    %jit3A_782 = arith.constant 43 : i32
    %broadcast_in_dim3A_783 = vector.broadcast %jit3A_782 : i32 to vector<512x128xi32>
    %select_n3A_784 = arith.select %lt3A_780, %broadcast_in_dim3A_783, %select_n3A_767 : vector<512x128xi1>, vector<512x128xi32>
    %get3A_785 = arith.constant 5632 : index
    %get3A_786 = arith.constant 0 : index
    %get3A_787 = vector.load %arg4[%get3A_785, %get3A_786] : memref<8192x32xf32, #tpu.memory_space<vmem>>, vector<128x32xf32>
    %dot_general3A_788 = arith.constant dense<0.000000e+00> : vector<512x128xf32>
    %dot_general3A_789 = tpu.matmul %mul3A_5, %get3A_787, %dot_general3A_788 {dimension_numbers = #tpu.dot_dimension_numbers<[1], [1], [0], [0], [0, 0, 1, 0], [], []>, transpose_lhs_hint = false} : vector<512x32xf32>, vector<128x32xf32>, vector<512x128xf32> -> vector<512x128xf32>
    %get3A_790 = arith.constant 0 : index
    %get3A_791 = arith.constant 5632 : index
    %get3A_792 = vector.load %arg2[%get3A_790, %get3A_791] : memref<1x8192xf32, #tpu.memory_space<vmem>>, vector<1x128xf32>
    %add3A_793 = vector.broadcast %get3A_8 : vector<512x1xf32> to vector<512x128xf32>
    %add3A_794 = vector.broadcast %get3A_792 : vector<1x128xf32> to vector<512x128xf32>
    %add3A_795 = arith.addf %add3A_793, %add3A_794 : vector<512x128xf32>
    %sub3A_796 = arith.subf %add3A_795, %dot_general3A_789 : vector<512x128xf32>
    %lt3A_797 = arith.cmpf olt, %sub3A_796, %min3A_781 : vector<512x128xf32>
    %min3A_798 = arith.minimumf %min3A_781, %sub3A_796 : vector<512x128xf32>
    %jit3A_799 = arith.constant 44 : i32
    %broadcast_in_dim3A_800 = vector.broadcast %jit3A_799 : i32 to vector<512x128xi32>
    %select_n3A_801 = arith.select %lt3A_797, %broadcast_in_dim3A_800, %select_n3A_784 : vector<512x128xi1>, vector<512x128xi32>
    %get3A_802 = arith.constant 5760 : index
    %get3A_803 = arith.constant 0 : index
    %get3A_804 = vector.load %arg4[%get3A_802, %get3A_803] : memref<8192x32xf32, #tpu.memory_space<vmem>>, vector<128x32xf32>
    %dot_general3A_805 = arith.constant dense<0.000000e+00> : vector<512x128xf32>
    %dot_general3A_806 = tpu.matmul %mul3A_5, %get3A_804, %dot_general3A_805 {dimension_numbers = #tpu.dot_dimension_numbers<[1], [1], [0], [0], [0, 0, 1, 0], [], []>, transpose_lhs_hint = false} : vector<512x32xf32>, vector<128x32xf32>, vector<512x128xf32> -> vector<512x128xf32>
    %get3A_807 = arith.constant 0 : index
    %get3A_808 = arith.constant 5760 : index
    %get3A_809 = vector.load %arg2[%get3A_807, %get3A_808] : memref<1x8192xf32, #tpu.memory_space<vmem>>, vector<1x128xf32>
    %add3A_810 = vector.broadcast %get3A_8 : vector<512x1xf32> to vector<512x128xf32>
    %add3A_811 = vector.broadcast %get3A_809 : vector<1x128xf32> to vector<512x128xf32>
    %add3A_812 = arith.addf %add3A_810, %add3A_811 : vector<512x128xf32>
    %sub3A_813 = arith.subf %add3A_812, %dot_general3A_806 : vector<512x128xf32>
    %lt3A_814 = arith.cmpf olt, %sub3A_813, %min3A_798 : vector<512x128xf32>
    %min3A_815 = arith.minimumf %min3A_798, %sub3A_813 : vector<512x128xf32>
    %jit3A_816 = arith.constant 45 : i32
    %broadcast_in_dim3A_817 = vector.broadcast %jit3A_816 : i32 to vector<512x128xi32>
    %select_n3A_818 = arith.select %lt3A_814, %broadcast_in_dim3A_817, %select_n3A_801 : vector<512x128xi1>, vector<512x128xi32>
    %get3A_819 = arith.constant 5888 : index
    %get3A_820 = arith.constant 0 : index
    %get3A_821 = vector.load %arg4[%get3A_819, %get3A_820] : memref<8192x32xf32, #tpu.memory_space<vmem>>, vector<128x32xf32>
    %dot_general3A_822 = arith.constant dense<0.000000e+00> : vector<512x128xf32>
    %dot_general3A_823 = tpu.matmul %mul3A_5, %get3A_821, %dot_general3A_822 {dimension_numbers = #tpu.dot_dimension_numbers<[1], [1], [0], [0], [0, 0, 1, 0], [], []>, transpose_lhs_hint = false} : vector<512x32xf32>, vector<128x32xf32>, vector<512x128xf32> -> vector<512x128xf32>
    %get3A_824 = arith.constant 0 : index
    %get3A_825 = arith.constant 5888 : index
    %get3A_826 = vector.load %arg2[%get3A_824, %get3A_825] : memref<1x8192xf32, #tpu.memory_space<vmem>>, vector<1x128xf32>
    %add3A_827 = vector.broadcast %get3A_8 : vector<512x1xf32> to vector<512x128xf32>
    %add3A_828 = vector.broadcast %get3A_826 : vector<1x128xf32> to vector<512x128xf32>
    %add3A_829 = arith.addf %add3A_827, %add3A_828 : vector<512x128xf32>
    %sub3A_830 = arith.subf %add3A_829, %dot_general3A_823 : vector<512x128xf32>
    %lt3A_831 = arith.cmpf olt, %sub3A_830, %min3A_815 : vector<512x128xf32>
    %min3A_832 = arith.minimumf %min3A_815, %sub3A_830 : vector<512x128xf32>
    %jit3A_833 = arith.constant 46 : i32
    %broadcast_in_dim3A_834 = vector.broadcast %jit3A_833 : i32 to vector<512x128xi32>
    %select_n3A_835 = arith.select %lt3A_831, %broadcast_in_dim3A_834, %select_n3A_818 : vector<512x128xi1>, vector<512x128xi32>
    %get3A_836 = arith.constant 6016 : index
    %get3A_837 = arith.constant 0 : index
    %get3A_838 = vector.load %arg4[%get3A_836, %get3A_837] : memref<8192x32xf32, #tpu.memory_space<vmem>>, vector<128x32xf32>
    %dot_general3A_839 = arith.constant dense<0.000000e+00> : vector<512x128xf32>
    %dot_general3A_840 = tpu.matmul %mul3A_5, %get3A_838, %dot_general3A_839 {dimension_numbers = #tpu.dot_dimension_numbers<[1], [1], [0], [0], [0, 0, 1, 0], [], []>, transpose_lhs_hint = false} : vector<512x32xf32>, vector<128x32xf32>, vector<512x128xf32> -> vector<512x128xf32>
    %get3A_841 = arith.constant 0 : index
    %get3A_842 = arith.constant 6016 : index
    %get3A_843 = vector.load %arg2[%get3A_841, %get3A_842] : memref<1x8192xf32, #tpu.memory_space<vmem>>, vector<1x128xf32>
    %add3A_844 = vector.broadcast %get3A_8 : vector<512x1xf32> to vector<512x128xf32>
    %add3A_845 = vector.broadcast %get3A_843 : vector<1x128xf32> to vector<512x128xf32>
    %add3A_846 = arith.addf %add3A_844, %add3A_845 : vector<512x128xf32>
    %sub3A_847 = arith.subf %add3A_846, %dot_general3A_840 : vector<512x128xf32>
    %lt3A_848 = arith.cmpf olt, %sub3A_847, %min3A_832 : vector<512x128xf32>
    %min3A_849 = arith.minimumf %min3A_832, %sub3A_847 : vector<512x128xf32>
    %jit3A_850 = arith.constant 47 : i32
    %broadcast_in_dim3A_851 = vector.broadcast %jit3A_850 : i32 to vector<512x128xi32>
    %select_n3A_852 = arith.select %lt3A_848, %broadcast_in_dim3A_851, %select_n3A_835 : vector<512x128xi1>, vector<512x128xi32>
    %get3A_853 = arith.constant 6144 : index
    %get3A_854 = arith.constant 0 : index
    %get3A_855 = vector.load %arg4[%get3A_853, %get3A_854] : memref<8192x32xf32, #tpu.memory_space<vmem>>, vector<128x32xf32>
    %dot_general3A_856 = arith.constant dense<0.000000e+00> : vector<512x128xf32>
    %dot_general3A_857 = tpu.matmul %mul3A_5, %get3A_855, %dot_general3A_856 {dimension_numbers = #tpu.dot_dimension_numbers<[1], [1], [0], [0], [0, 0, 1, 0], [], []>, transpose_lhs_hint = false} : vector<512x32xf32>, vector<128x32xf32>, vector<512x128xf32> -> vector<512x128xf32>
    %get3A_858 = arith.constant 0 : index
    %get3A_859 = arith.constant 6144 : index
    %get3A_860 = vector.load %arg2[%get3A_858, %get3A_859] : memref<1x8192xf32, #tpu.memory_space<vmem>>, vector<1x128xf32>
    %add3A_861 = vector.broadcast %get3A_8 : vector<512x1xf32> to vector<512x128xf32>
    %add3A_862 = vector.broadcast %get3A_860 : vector<1x128xf32> to vector<512x128xf32>
    %add3A_863 = arith.addf %add3A_861, %add3A_862 : vector<512x128xf32>
    %sub3A_864 = arith.subf %add3A_863, %dot_general3A_857 : vector<512x128xf32>
    %lt3A_865 = arith.cmpf olt, %sub3A_864, %min3A_849 : vector<512x128xf32>
    %min3A_866 = arith.minimumf %min3A_849, %sub3A_864 : vector<512x128xf32>
    %jit3A_867 = arith.constant 48 : i32
    %broadcast_in_dim3A_868 = vector.broadcast %jit3A_867 : i32 to vector<512x128xi32>
    %select_n3A_869 = arith.select %lt3A_865, %broadcast_in_dim3A_868, %select_n3A_852 : vector<512x128xi1>, vector<512x128xi32>
    %get3A_870 = arith.constant 6272 : index
    %get3A_871 = arith.constant 0 : index
    %get3A_872 = vector.load %arg4[%get3A_870, %get3A_871] : memref<8192x32xf32, #tpu.memory_space<vmem>>, vector<128x32xf32>
    %dot_general3A_873 = arith.constant dense<0.000000e+00> : vector<512x128xf32>
    %dot_general3A_874 = tpu.matmul %mul3A_5, %get3A_872, %dot_general3A_873 {dimension_numbers = #tpu.dot_dimension_numbers<[1], [1], [0], [0], [0, 0, 1, 0], [], []>, transpose_lhs_hint = false} : vector<512x32xf32>, vector<128x32xf32>, vector<512x128xf32> -> vector<512x128xf32>
    %get3A_875 = arith.constant 0 : index
    %get3A_876 = arith.constant 6272 : index
    %get3A_877 = vector.load %arg2[%get3A_875, %get3A_876] : memref<1x8192xf32, #tpu.memory_space<vmem>>, vector<1x128xf32>
    %add3A_878 = vector.broadcast %get3A_8 : vector<512x1xf32> to vector<512x128xf32>
    %add3A_879 = vector.broadcast %get3A_877 : vector<1x128xf32> to vector<512x128xf32>
    %add3A_880 = arith.addf %add3A_878, %add3A_879 : vector<512x128xf32>
    %sub3A_881 = arith.subf %add3A_880, %dot_general3A_874 : vector<512x128xf32>
    %lt3A_882 = arith.cmpf olt, %sub3A_881, %min3A_866 : vector<512x128xf32>
    %min3A_883 = arith.minimumf %min3A_866, %sub3A_881 : vector<512x128xf32>
    %jit3A_884 = arith.constant 49 : i32
    %broadcast_in_dim3A_885 = vector.broadcast %jit3A_884 : i32 to vector<512x128xi32>
    %select_n3A_886 = arith.select %lt3A_882, %broadcast_in_dim3A_885, %select_n3A_869 : vector<512x128xi1>, vector<512x128xi32>
    %get3A_887 = arith.constant 6400 : index
    %get3A_888 = arith.constant 0 : index
    %get3A_889 = vector.load %arg4[%get3A_887, %get3A_888] : memref<8192x32xf32, #tpu.memory_space<vmem>>, vector<128x32xf32>
    %dot_general3A_890 = arith.constant dense<0.000000e+00> : vector<512x128xf32>
    %dot_general3A_891 = tpu.matmul %mul3A_5, %get3A_889, %dot_general3A_890 {dimension_numbers = #tpu.dot_dimension_numbers<[1], [1], [0], [0], [0, 0, 1, 0], [], []>, transpose_lhs_hint = false} : vector<512x32xf32>, vector<128x32xf32>, vector<512x128xf32> -> vector<512x128xf32>
    %get3A_892 = arith.constant 0 : index
    %get3A_893 = arith.constant 6400 : index
    %get3A_894 = vector.load %arg2[%get3A_892, %get3A_893] : memref<1x8192xf32, #tpu.memory_space<vmem>>, vector<1x128xf32>
    %add3A_895 = vector.broadcast %get3A_8 : vector<512x1xf32> to vector<512x128xf32>
    %add3A_896 = vector.broadcast %get3A_894 : vector<1x128xf32> to vector<512x128xf32>
    %add3A_897 = arith.addf %add3A_895, %add3A_896 : vector<512x128xf32>
    %sub3A_898 = arith.subf %add3A_897, %dot_general3A_891 : vector<512x128xf32>
    %lt3A_899 = arith.cmpf olt, %sub3A_898, %min3A_883 : vector<512x128xf32>
    %min3A_900 = arith.minimumf %min3A_883, %sub3A_898 : vector<512x128xf32>
    %jit3A_901 = arith.constant 50 : i32
    %broadcast_in_dim3A_902 = vector.broadcast %jit3A_901 : i32 to vector<512x128xi32>
    %select_n3A_903 = arith.select %lt3A_899, %broadcast_in_dim3A_902, %select_n3A_886 : vector<512x128xi1>, vector<512x128xi32>
    %get3A_904 = arith.constant 6528 : index
    %get3A_905 = arith.constant 0 : index
    %get3A_906 = vector.load %arg4[%get3A_904, %get3A_905] : memref<8192x32xf32, #tpu.memory_space<vmem>>, vector<128x32xf32>
    %dot_general3A_907 = arith.constant dense<0.000000e+00> : vector<512x128xf32>
    %dot_general3A_908 = tpu.matmul %mul3A_5, %get3A_906, %dot_general3A_907 {dimension_numbers = #tpu.dot_dimension_numbers<[1], [1], [0], [0], [0, 0, 1, 0], [], []>, transpose_lhs_hint = false} : vector<512x32xf32>, vector<128x32xf32>, vector<512x128xf32> -> vector<512x128xf32>
    %get3A_909 = arith.constant 0 : index
    %get3A_910 = arith.constant 6528 : index
    %get3A_911 = vector.load %arg2[%get3A_909, %get3A_910] : memref<1x8192xf32, #tpu.memory_space<vmem>>, vector<1x128xf32>
    %add3A_912 = vector.broadcast %get3A_8 : vector<512x1xf32> to vector<512x128xf32>
    %add3A_913 = vector.broadcast %get3A_911 : vector<1x128xf32> to vector<512x128xf32>
    %add3A_914 = arith.addf %add3A_912, %add3A_913 : vector<512x128xf32>
    %sub3A_915 = arith.subf %add3A_914, %dot_general3A_908 : vector<512x128xf32>
    %lt3A_916 = arith.cmpf olt, %sub3A_915, %min3A_900 : vector<512x128xf32>
    %min3A_917 = arith.minimumf %min3A_900, %sub3A_915 : vector<512x128xf32>
    %jit3A_918 = arith.constant 51 : i32
    %broadcast_in_dim3A_919 = vector.broadcast %jit3A_918 : i32 to vector<512x128xi32>
    %select_n3A_920 = arith.select %lt3A_916, %broadcast_in_dim3A_919, %select_n3A_903 : vector<512x128xi1>, vector<512x128xi32>
    %get3A_921 = arith.constant 6656 : index
    %get3A_922 = arith.constant 0 : index
    %get3A_923 = vector.load %arg4[%get3A_921, %get3A_922] : memref<8192x32xf32, #tpu.memory_space<vmem>>, vector<128x32xf32>
    %dot_general3A_924 = arith.constant dense<0.000000e+00> : vector<512x128xf32>
    %dot_general3A_925 = tpu.matmul %mul3A_5, %get3A_923, %dot_general3A_924 {dimension_numbers = #tpu.dot_dimension_numbers<[1], [1], [0], [0], [0, 0, 1, 0], [], []>, transpose_lhs_hint = false} : vector<512x32xf32>, vector<128x32xf32>, vector<512x128xf32> -> vector<512x128xf32>
    %get3A_926 = arith.constant 0 : index
    %get3A_927 = arith.constant 6656 : index
    %get3A_928 = vector.load %arg2[%get3A_926, %get3A_927] : memref<1x8192xf32, #tpu.memory_space<vmem>>, vector<1x128xf32>
    %add3A_929 = vector.broadcast %get3A_8 : vector<512x1xf32> to vector<512x128xf32>
    %add3A_930 = vector.broadcast %get3A_928 : vector<1x128xf32> to vector<512x128xf32>
    %add3A_931 = arith.addf %add3A_929, %add3A_930 : vector<512x128xf32>
    %sub3A_932 = arith.subf %add3A_931, %dot_general3A_925 : vector<512x128xf32>
    %lt3A_933 = arith.cmpf olt, %sub3A_932, %min3A_917 : vector<512x128xf32>
    %min3A_934 = arith.minimumf %min3A_917, %sub3A_932 : vector<512x128xf32>
    %jit3A_935 = arith.constant 52 : i32
    %broadcast_in_dim3A_936 = vector.broadcast %jit3A_935 : i32 to vector<512x128xi32>
    %select_n3A_937 = arith.select %lt3A_933, %broadcast_in_dim3A_936, %select_n3A_920 : vector<512x128xi1>, vector<512x128xi32>
    %get3A_938 = arith.constant 6784 : index
    %get3A_939 = arith.constant 0 : index
    %get3A_940 = vector.load %arg4[%get3A_938, %get3A_939] : memref<8192x32xf32, #tpu.memory_space<vmem>>, vector<128x32xf32>
    %dot_general3A_941 = arith.constant dense<0.000000e+00> : vector<512x128xf32>
    %dot_general3A_942 = tpu.matmul %mul3A_5, %get3A_940, %dot_general3A_941 {dimension_numbers = #tpu.dot_dimension_numbers<[1], [1], [0], [0], [0, 0, 1, 0], [], []>, transpose_lhs_hint = false} : vector<512x32xf32>, vector<128x32xf32>, vector<512x128xf32> -> vector<512x128xf32>
    %get3A_943 = arith.constant 0 : index
    %get3A_944 = arith.constant 6784 : index
    %get3A_945 = vector.load %arg2[%get3A_943, %get3A_944] : memref<1x8192xf32, #tpu.memory_space<vmem>>, vector<1x128xf32>
    %add3A_946 = vector.broadcast %get3A_8 : vector<512x1xf32> to vector<512x128xf32>
    %add3A_947 = vector.broadcast %get3A_945 : vector<1x128xf32> to vector<512x128xf32>
    %add3A_948 = arith.addf %add3A_946, %add3A_947 : vector<512x128xf32>
    %sub3A_949 = arith.subf %add3A_948, %dot_general3A_942 : vector<512x128xf32>
    %lt3A_950 = arith.cmpf olt, %sub3A_949, %min3A_934 : vector<512x128xf32>
    %min3A_951 = arith.minimumf %min3A_934, %sub3A_949 : vector<512x128xf32>
    %jit3A_952 = arith.constant 53 : i32
    %broadcast_in_dim3A_953 = vector.broadcast %jit3A_952 : i32 to vector<512x128xi32>
    %select_n3A_954 = arith.select %lt3A_950, %broadcast_in_dim3A_953, %select_n3A_937 : vector<512x128xi1>, vector<512x128xi32>
    %get3A_955 = arith.constant 6912 : index
    %get3A_956 = arith.constant 0 : index
    %get3A_957 = vector.load %arg4[%get3A_955, %get3A_956] : memref<8192x32xf32, #tpu.memory_space<vmem>>, vector<128x32xf32>
    %dot_general3A_958 = arith.constant dense<0.000000e+00> : vector<512x128xf32>
    %dot_general3A_959 = tpu.matmul %mul3A_5, %get3A_957, %dot_general3A_958 {dimension_numbers = #tpu.dot_dimension_numbers<[1], [1], [0], [0], [0, 0, 1, 0], [], []>, transpose_lhs_hint = false} : vector<512x32xf32>, vector<128x32xf32>, vector<512x128xf32> -> vector<512x128xf32>
    %get3A_960 = arith.constant 0 : index
    %get3A_961 = arith.constant 6912 : index
    %get3A_962 = vector.load %arg2[%get3A_960, %get3A_961] : memref<1x8192xf32, #tpu.memory_space<vmem>>, vector<1x128xf32>
    %add3A_963 = vector.broadcast %get3A_8 : vector<512x1xf32> to vector<512x128xf32>
    %add3A_964 = vector.broadcast %get3A_962 : vector<1x128xf32> to vector<512x128xf32>
    %add3A_965 = arith.addf %add3A_963, %add3A_964 : vector<512x128xf32>
    %sub3A_966 = arith.subf %add3A_965, %dot_general3A_959 : vector<512x128xf32>
    %lt3A_967 = arith.cmpf olt, %sub3A_966, %min3A_951 : vector<512x128xf32>
    %min3A_968 = arith.minimumf %min3A_951, %sub3A_966 : vector<512x128xf32>
    %jit3A_969 = arith.constant 54 : i32
    %broadcast_in_dim3A_970 = vector.broadcast %jit3A_969 : i32 to vector<512x128xi32>
    %select_n3A_971 = arith.select %lt3A_967, %broadcast_in_dim3A_970, %select_n3A_954 : vector<512x128xi1>, vector<512x128xi32>
    %get3A_972 = arith.constant 7040 : index
    %get3A_973 = arith.constant 0 : index
    %get3A_974 = vector.load %arg4[%get3A_972, %get3A_973] : memref<8192x32xf32, #tpu.memory_space<vmem>>, vector<128x32xf32>
    %dot_general3A_975 = arith.constant dense<0.000000e+00> : vector<512x128xf32>
    %dot_general3A_976 = tpu.matmul %mul3A_5, %get3A_974, %dot_general3A_975 {dimension_numbers = #tpu.dot_dimension_numbers<[1], [1], [0], [0], [0, 0, 1, 0], [], []>, transpose_lhs_hint = false} : vector<512x32xf32>, vector<128x32xf32>, vector<512x128xf32> -> vector<512x128xf32>
    %get3A_977 = arith.constant 0 : index
    %get3A_978 = arith.constant 7040 : index
    %get3A_979 = vector.load %arg2[%get3A_977, %get3A_978] : memref<1x8192xf32, #tpu.memory_space<vmem>>, vector<1x128xf32>
    %add3A_980 = vector.broadcast %get3A_8 : vector<512x1xf32> to vector<512x128xf32>
    %add3A_981 = vector.broadcast %get3A_979 : vector<1x128xf32> to vector<512x128xf32>
    %add3A_982 = arith.addf %add3A_980, %add3A_981 : vector<512x128xf32>
    %sub3A_983 = arith.subf %add3A_982, %dot_general3A_976 : vector<512x128xf32>
    %lt3A_984 = arith.cmpf olt, %sub3A_983, %min3A_968 : vector<512x128xf32>
    %min3A_985 = arith.minimumf %min3A_968, %sub3A_983 : vector<512x128xf32>
    %jit3A_986 = arith.constant 55 : i32
    %broadcast_in_dim3A_987 = vector.broadcast %jit3A_986 : i32 to vector<512x128xi32>
    %select_n3A_988 = arith.select %lt3A_984, %broadcast_in_dim3A_987, %select_n3A_971 : vector<512x128xi1>, vector<512x128xi32>
    %get3A_989 = arith.constant 7168 : index
    %get3A_990 = arith.constant 0 : index
    %get3A_991 = vector.load %arg4[%get3A_989, %get3A_990] : memref<8192x32xf32, #tpu.memory_space<vmem>>, vector<128x32xf32>
    %dot_general3A_992 = arith.constant dense<0.000000e+00> : vector<512x128xf32>
    %dot_general3A_993 = tpu.matmul %mul3A_5, %get3A_991, %dot_general3A_992 {dimension_numbers = #tpu.dot_dimension_numbers<[1], [1], [0], [0], [0, 0, 1, 0], [], []>, transpose_lhs_hint = false} : vector<512x32xf32>, vector<128x32xf32>, vector<512x128xf32> -> vector<512x128xf32>
    %get3A_994 = arith.constant 0 : index
    %get3A_995 = arith.constant 7168 : index
    %get3A_996 = vector.load %arg2[%get3A_994, %get3A_995] : memref<1x8192xf32, #tpu.memory_space<vmem>>, vector<1x128xf32>
    %add3A_997 = vector.broadcast %get3A_8 : vector<512x1xf32> to vector<512x128xf32>
    %add3A_998 = vector.broadcast %get3A_996 : vector<1x128xf32> to vector<512x128xf32>
    %add3A_999 = arith.addf %add3A_997, %add3A_998 : vector<512x128xf32>
    %sub3A_1000 = arith.subf %add3A_999, %dot_general3A_993 : vector<512x128xf32>
    %lt3A_1001 = arith.cmpf olt, %sub3A_1000, %min3A_985 : vector<512x128xf32>
    %min3A_1002 = arith.minimumf %min3A_985, %sub3A_1000 : vector<512x128xf32>
    %jit3A_1003 = arith.constant 56 : i32
    %broadcast_in_dim3A_1004 = vector.broadcast %jit3A_1003 : i32 to vector<512x128xi32>
    %select_n3A_1005 = arith.select %lt3A_1001, %broadcast_in_dim3A_1004, %select_n3A_988 : vector<512x128xi1>, vector<512x128xi32>
    %get3A_1006 = arith.constant 7296 : index
    %get3A_1007 = arith.constant 0 : index
    %get3A_1008 = vector.load %arg4[%get3A_1006, %get3A_1007] : memref<8192x32xf32, #tpu.memory_space<vmem>>, vector<128x32xf32>
    %dot_general3A_1009 = arith.constant dense<0.000000e+00> : vector<512x128xf32>
    %dot_general3A_1010 = tpu.matmul %mul3A_5, %get3A_1008, %dot_general3A_1009 {dimension_numbers = #tpu.dot_dimension_numbers<[1], [1], [0], [0], [0, 0, 1, 0], [], []>, transpose_lhs_hint = false} : vector<512x32xf32>, vector<128x32xf32>, vector<512x128xf32> -> vector<512x128xf32>
    %get3A_1011 = arith.constant 0 : index
    %get3A_1012 = arith.constant 7296 : index
    %get3A_1013 = vector.load %arg2[%get3A_1011, %get3A_1012] : memref<1x8192xf32, #tpu.memory_space<vmem>>, vector<1x128xf32>
    %add3A_1014 = vector.broadcast %get3A_8 : vector<512x1xf32> to vector<512x128xf32>
    %add3A_1015 = vector.broadcast %get3A_1013 : vector<1x128xf32> to vector<512x128xf32>
    %add3A_1016 = arith.addf %add3A_1014, %add3A_1015 : vector<512x128xf32>
    %sub3A_1017 = arith.subf %add3A_1016, %dot_general3A_1010 : vector<512x128xf32>
    %lt3A_1018 = arith.cmpf olt, %sub3A_1017, %min3A_1002 : vector<512x128xf32>
    %min3A_1019 = arith.minimumf %min3A_1002, %sub3A_1017 : vector<512x128xf32>
    %jit3A_1020 = arith.constant 57 : i32
    %broadcast_in_dim3A_1021 = vector.broadcast %jit3A_1020 : i32 to vector<512x128xi32>
    %select_n3A_1022 = arith.select %lt3A_1018, %broadcast_in_dim3A_1021, %select_n3A_1005 : vector<512x128xi1>, vector<512x128xi32>
    %get3A_1023 = arith.constant 7424 : index
    %get3A_1024 = arith.constant 0 : index
    %get3A_1025 = vector.load %arg4[%get3A_1023, %get3A_1024] : memref<8192x32xf32, #tpu.memory_space<vmem>>, vector<128x32xf32>
    %dot_general3A_1026 = arith.constant dense<0.000000e+00> : vector<512x128xf32>
    %dot_general3A_1027 = tpu.matmul %mul3A_5, %get3A_1025, %dot_general3A_1026 {dimension_numbers = #tpu.dot_dimension_numbers<[1], [1], [0], [0], [0, 0, 1, 0], [], []>, transpose_lhs_hint = false} : vector<512x32xf32>, vector<128x32xf32>, vector<512x128xf32> -> vector<512x128xf32>
    %get3A_1028 = arith.constant 0 : index
    %get3A_1029 = arith.constant 7424 : index
    %get3A_1030 = vector.load %arg2[%get3A_1028, %get3A_1029] : memref<1x8192xf32, #tpu.memory_space<vmem>>, vector<1x128xf32>
    %add3A_1031 = vector.broadcast %get3A_8 : vector<512x1xf32> to vector<512x128xf32>
    %add3A_1032 = vector.broadcast %get3A_1030 : vector<1x128xf32> to vector<512x128xf32>
    %add3A_1033 = arith.addf %add3A_1031, %add3A_1032 : vector<512x128xf32>
    %sub3A_1034 = arith.subf %add3A_1033, %dot_general3A_1027 : vector<512x128xf32>
    %lt3A_1035 = arith.cmpf olt, %sub3A_1034, %min3A_1019 : vector<512x128xf32>
    %min3A_1036 = arith.minimumf %min3A_1019, %sub3A_1034 : vector<512x128xf32>
    %jit3A_1037 = arith.constant 58 : i32
    %broadcast_in_dim3A_1038 = vector.broadcast %jit3A_1037 : i32 to vector<512x128xi32>
    %select_n3A_1039 = arith.select %lt3A_1035, %broadcast_in_dim3A_1038, %select_n3A_1022 : vector<512x128xi1>, vector<512x128xi32>
    %get3A_1040 = arith.constant 7552 : index
    %get3A_1041 = arith.constant 0 : index
    %get3A_1042 = vector.load %arg4[%get3A_1040, %get3A_1041] : memref<8192x32xf32, #tpu.memory_space<vmem>>, vector<128x32xf32>
    %dot_general3A_1043 = arith.constant dense<0.000000e+00> : vector<512x128xf32>
    %dot_general3A_1044 = tpu.matmul %mul3A_5, %get3A_1042, %dot_general3A_1043 {dimension_numbers = #tpu.dot_dimension_numbers<[1], [1], [0], [0], [0, 0, 1, 0], [], []>, transpose_lhs_hint = false} : vector<512x32xf32>, vector<128x32xf32>, vector<512x128xf32> -> vector<512x128xf32>
    %get3A_1045 = arith.constant 0 : index
    %get3A_1046 = arith.constant 7552 : index
    %get3A_1047 = vector.load %arg2[%get3A_1045, %get3A_1046] : memref<1x8192xf32, #tpu.memory_space<vmem>>, vector<1x128xf32>
    %add3A_1048 = vector.broadcast %get3A_8 : vector<512x1xf32> to vector<512x128xf32>
    %add3A_1049 = vector.broadcast %get3A_1047 : vector<1x128xf32> to vector<512x128xf32>
    %add3A_1050 = arith.addf %add3A_1048, %add3A_1049 : vector<512x128xf32>
    %sub3A_1051 = arith.subf %add3A_1050, %dot_general3A_1044 : vector<512x128xf32>
    %lt3A_1052 = arith.cmpf olt, %sub3A_1051, %min3A_1036 : vector<512x128xf32>
    %min3A_1053 = arith.minimumf %min3A_1036, %sub3A_1051 : vector<512x128xf32>
    %jit3A_1054 = arith.constant 59 : i32
    %broadcast_in_dim3A_1055 = vector.broadcast %jit3A_1054 : i32 to vector<512x128xi32>
    %select_n3A_1056 = arith.select %lt3A_1052, %broadcast_in_dim3A_1055, %select_n3A_1039 : vector<512x128xi1>, vector<512x128xi32>
    %get3A_1057 = arith.constant 7680 : index
    %get3A_1058 = arith.constant 0 : index
    %get3A_1059 = vector.load %arg4[%get3A_1057, %get3A_1058] : memref<8192x32xf32, #tpu.memory_space<vmem>>, vector<128x32xf32>
    %dot_general3A_1060 = arith.constant dense<0.000000e+00> : vector<512x128xf32>
    %dot_general3A_1061 = tpu.matmul %mul3A_5, %get3A_1059, %dot_general3A_1060 {dimension_numbers = #tpu.dot_dimension_numbers<[1], [1], [0], [0], [0, 0, 1, 0], [], []>, transpose_lhs_hint = false} : vector<512x32xf32>, vector<128x32xf32>, vector<512x128xf32> -> vector<512x128xf32>
    %get3A_1062 = arith.constant 0 : index
    %get3A_1063 = arith.constant 7680 : index
    %get3A_1064 = vector.load %arg2[%get3A_1062, %get3A_1063] : memref<1x8192xf32, #tpu.memory_space<vmem>>, vector<1x128xf32>
    %add3A_1065 = vector.broadcast %get3A_8 : vector<512x1xf32> to vector<512x128xf32>
    %add3A_1066 = vector.broadcast %get3A_1064 : vector<1x128xf32> to vector<512x128xf32>
    %add3A_1067 = arith.addf %add3A_1065, %add3A_1066 : vector<512x128xf32>
    %sub3A_1068 = arith.subf %add3A_1067, %dot_general3A_1061 : vector<512x128xf32>
    %lt3A_1069 = arith.cmpf olt, %sub3A_1068, %min3A_1053 : vector<512x128xf32>
    %min3A_1070 = arith.minimumf %min3A_1053, %sub3A_1068 : vector<512x128xf32>
    %jit3A_1071 = arith.constant 60 : i32
    %broadcast_in_dim3A_1072 = vector.broadcast %jit3A_1071 : i32 to vector<512x128xi32>
    %select_n3A_1073 = arith.select %lt3A_1069, %broadcast_in_dim3A_1072, %select_n3A_1056 : vector<512x128xi1>, vector<512x128xi32>
    %get3A_1074 = arith.constant 7808 : index
    %get3A_1075 = arith.constant 0 : index
    %get3A_1076 = vector.load %arg4[%get3A_1074, %get3A_1075] : memref<8192x32xf32, #tpu.memory_space<vmem>>, vector<128x32xf32>
    %dot_general3A_1077 = arith.constant dense<0.000000e+00> : vector<512x128xf32>
    %dot_general3A_1078 = tpu.matmul %mul3A_5, %get3A_1076, %dot_general3A_1077 {dimension_numbers = #tpu.dot_dimension_numbers<[1], [1], [0], [0], [0, 0, 1, 0], [], []>, transpose_lhs_hint = false} : vector<512x32xf32>, vector<128x32xf32>, vector<512x128xf32> -> vector<512x128xf32>
    %get3A_1079 = arith.constant 0 : index
    %get3A_1080 = arith.constant 7808 : index
    %get3A_1081 = vector.load %arg2[%get3A_1079, %get3A_1080] : memref<1x8192xf32, #tpu.memory_space<vmem>>, vector<1x128xf32>
    %add3A_1082 = vector.broadcast %get3A_8 : vector<512x1xf32> to vector<512x128xf32>
    %add3A_1083 = vector.broadcast %get3A_1081 : vector<1x128xf32> to vector<512x128xf32>
    %add3A_1084 = arith.addf %add3A_1082, %add3A_1083 : vector<512x128xf32>
    %sub3A_1085 = arith.subf %add3A_1084, %dot_general3A_1078 : vector<512x128xf32>
    %lt3A_1086 = arith.cmpf olt, %sub3A_1085, %min3A_1070 : vector<512x128xf32>
    %min3A_1087 = arith.minimumf %min3A_1070, %sub3A_1085 : vector<512x128xf32>
    %jit3A_1088 = arith.constant 61 : i32
    %broadcast_in_dim3A_1089 = vector.broadcast %jit3A_1088 : i32 to vector<512x128xi32>
    %select_n3A_1090 = arith.select %lt3A_1086, %broadcast_in_dim3A_1089, %select_n3A_1073 : vector<512x128xi1>, vector<512x128xi32>
    %get3A_1091 = arith.constant 7936 : index
    %get3A_1092 = arith.constant 0 : index
    %get3A_1093 = vector.load %arg4[%get3A_1091, %get3A_1092] : memref<8192x32xf32, #tpu.memory_space<vmem>>, vector<128x32xf32>
    %dot_general3A_1094 = arith.constant dense<0.000000e+00> : vector<512x128xf32>
    %dot_general3A_1095 = tpu.matmul %mul3A_5, %get3A_1093, %dot_general3A_1094 {dimension_numbers = #tpu.dot_dimension_numbers<[1], [1], [0], [0], [0, 0, 1, 0], [], []>, transpose_lhs_hint = false} : vector<512x32xf32>, vector<128x32xf32>, vector<512x128xf32> -> vector<512x128xf32>
    %get3A_1096 = arith.constant 0 : index
    %get3A_1097 = arith.constant 7936 : index
    %get3A_1098 = vector.load %arg2[%get3A_1096, %get3A_1097] : memref<1x8192xf32, #tpu.memory_space<vmem>>, vector<1x128xf32>
    %add3A_1099 = vector.broadcast %get3A_8 : vector<512x1xf32> to vector<512x128xf32>
    %add3A_1100 = vector.broadcast %get3A_1098 : vector<1x128xf32> to vector<512x128xf32>
    %add3A_1101 = arith.addf %add3A_1099, %add3A_1100 : vector<512x128xf32>
    %sub3A_1102 = arith.subf %add3A_1101, %dot_general3A_1095 : vector<512x128xf32>
    %lt3A_1103 = arith.cmpf olt, %sub3A_1102, %min3A_1087 : vector<512x128xf32>
    %min3A_1104 = arith.minimumf %min3A_1087, %sub3A_1102 : vector<512x128xf32>
    %jit3A_1105 = arith.constant 62 : i32
    %broadcast_in_dim3A_1106 = vector.broadcast %jit3A_1105 : i32 to vector<512x128xi32>
    %select_n3A_1107 = arith.select %lt3A_1103, %broadcast_in_dim3A_1106, %select_n3A_1090 : vector<512x128xi1>, vector<512x128xi32>
    %get3A_1108 = arith.constant 8064 : index
    %get3A_1109 = arith.constant 0 : index
    %get3A_1110 = vector.load %arg4[%get3A_1108, %get3A_1109] : memref<8192x32xf32, #tpu.memory_space<vmem>>, vector<128x32xf32>
    %dot_general3A_1111 = arith.constant dense<0.000000e+00> : vector<512x128xf32>
    %dot_general3A_1112 = tpu.matmul %mul3A_5, %get3A_1110, %dot_general3A_1111 {dimension_numbers = #tpu.dot_dimension_numbers<[1], [1], [0], [0], [0, 0, 1, 0], [], []>, transpose_lhs_hint = false} : vector<512x32xf32>, vector<128x32xf32>, vector<512x128xf32> -> vector<512x128xf32>
    %get3A_1113 = arith.constant 0 : index
    %get3A_1114 = arith.constant 8064 : index
    %get3A_1115 = vector.load %arg2[%get3A_1113, %get3A_1114] : memref<1x8192xf32, #tpu.memory_space<vmem>>, vector<1x128xf32>
    %add3A_1116 = vector.broadcast %get3A_8 : vector<512x1xf32> to vector<512x128xf32>
    %add3A_1117 = vector.broadcast %get3A_1115 : vector<1x128xf32> to vector<512x128xf32>
    %add3A_1118 = arith.addf %add3A_1116, %add3A_1117 : vector<512x128xf32>
    %sub3A_1119 = arith.subf %add3A_1118, %dot_general3A_1112 : vector<512x128xf32>
    %lt3A_1120 = arith.cmpf olt, %sub3A_1119, %min3A_1104 : vector<512x128xf32>
    %min3A_1121 = arith.minimumf %min3A_1104, %sub3A_1119 : vector<512x128xf32>
    %jit3A_1122 = arith.constant 63 : i32
    %broadcast_in_dim3A_1123 = vector.broadcast %jit3A_1122 : i32 to vector<512x128xi32>
    %select_n3A_1124 = arith.select %lt3A_1120, %broadcast_in_dim3A_1123, %select_n3A_1107 : vector<512x128xi1>, vector<512x128xi32>
    %mul3A_1125 = arith.constant 128 : i32
    %mul3A_1126 = vector.broadcast %mul3A_1125 : i32 to vector<512x128xi32>
    %mul3A_1127 = arith.muli %select_n3A_1124, %mul3A_1126 : vector<512x128xi32>
    %add3A_1128 = arith.addi %iota3A, %mul3A_1127 : vector<512x128xi32>
    %reduce_min3A_1129 = arith.constant dense<0x7F800000> : vector<512xf32>
    %reduce_min3A_1130 = vector.multi_reduction <minimumf>, %min3A_1121, %reduce_min3A_1129 [1] : vector<512x128xf32> to vector<512xf32>
    %broadcast_in_dim3A_1131 = vector.shape_cast %reduce_min3A_1130 : vector<512xf32> to vector<512x1xf32>
    %eq3A_1132 = vector.broadcast %broadcast_in_dim3A_1131 : vector<512x1xf32> to vector<512x128xf32>
    %eq3A_1133 = arith.cmpf oeq, %min3A_1121, %eq3A_1132 : vector<512x128xf32>
    %jit3A_1134 = arith.constant 8192 : i32
    %broadcast_in_dim3A_1135 = vector.broadcast %jit3A_1134 : i32 to vector<512x128xi32>
    %select_n3A_1136 = arith.select %eq3A_1133, %add3A_1128, %broadcast_in_dim3A_1135 : vector<512x128xi1>, vector<512x128xi32>
    %reduce_min3A_1137 = arith.constant dense<2147483647> : vector<512xi32>
    %reduce_min3A_1138 = vector.multi_reduction <minsi>, %select_n3A_1136, %reduce_min3A_1137 [1] : vector<512x128xi32> to vector<512xi32>
    %broadcast_in_dim3A_1139 = vector.shape_cast %reduce_min3A_1138 : vector<512xi32> to vector<512x1xi32>
    %lt3A_1140 = arith.cmpf olt, %convert_element_type3A_576, %broadcast_in_dim3A_1131 : vector<512x1xf32>
    %eq3A_1141 = arith.cmpf oeq, %convert_element_type3A_576, %broadcast_in_dim3A_1131 : vector<512x1xf32>
    %lt3A_1142 = arith.cmpi slt, %select_n3A_572, %broadcast_in_dim3A_1139 : vector<512x1xi32>
    %and3A_1143 = arith.andi %eq3A_1141, %lt3A_1142 : vector<512x1xi1>
    %or3A_1144 = arith.ori %lt3A_1140, %and3A_1143 : vector<512x1xi1>
    %select_n3A_1145 = arith.select %or3A_1144, %select_n3A_572, %broadcast_in_dim3A_1139 : vector<512x1xi1>, vector<512x1xi32>
    %select_n3A_1146 = arith.select %or3A_1144, %select_n3A_573, %broadcast_in_dim3A_1131 : vector<512x1xi1>, vector<512x1xf32>
    %reshape3A = vector.shape_cast %select_n3A_1145 : vector<512x1xi32> to vector<1x4x128xi32>
    %swap3A = arith.constant 0 : index
    %swap3A_1147 = arith.constant 0 : index
    %swap3A_1148 = arith.constant 0 : index
    %swap3A_1149 = vector.load %arg5[%swap3A, %swap3A_1147, %swap3A_1148] : memref<1x4x128xi32, #tpu.memory_space<vmem>>, vector<1x4x128xi32>
    tpu.vector_store %arg5[%swap3A, %swap3A_1147, %swap3A_1148], %reshape3A {strides = array<i32>} : memref<1x4x128xi32, #tpu.memory_space<vmem>>, vector<1x4x128xi32>,
    %get3A_1150 = arith.constant 0 : index
    %get3A_1151 = arith.constant 0 : index
    %get3A_1152 = vector.load %arg7[%get3A_1150, %get3A_1151] : memref<512x1xf32, #tpu.memory_space<vmem>>, vector<512x1xf32>
    %add3A_1153 = arith.addf %get3A_1152, %select_n3A_1146 : vector<512x1xf32>
    %swap3A_1154 = arith.constant 0 : index
    %swap3A_1155 = arith.constant 0 : index
    %swap3A_1156 = vector.load %arg7[%swap3A_1154, %swap3A_1155] : memref<512x1xf32, #tpu.memory_space<vmem>>, vector<512x1xf32>
    tpu.vector_store %arg7[%swap3A_1154, %swap3A_1155], %add3A_1153 {strides = array<i32>} : memref<512x1xf32, #tpu.memory_space<vmem>>, vector<512x1xf32>,
    %eq3A_1157 = arith.constant 31 : i32
    %eq3A_1158 = arith.cmpi eq, %arg0, %eq3A_1157 : i32
    %convert_element_type3A_1159 = arith.extui %eq3A_1158 : i1 to i32
    %cond3A_1160 = arith.constant 0 : i32
    %cond3A_1161 = arith.cmpi ne, %convert_element_type3A_1159, %cond3A_1160 : i32
    scf.if %cond3A_1161 {
      %get3A_1162 = arith.constant 0 : index
      %get3A_1163 = arith.constant 0 : index
      %get3A_1164 = vector.load %arg7[%get3A_1162, %get3A_1163] : memref<512x1xf32, #tpu.memory_space<vmem>>, vector<512x1xf32>
      %reduce_sum3A = vector.shape_cast %get3A_1164 : vector<512x1xf32> to vector<1x512x1xf32>
      %reduce_sum3A_1165 = arith.constant dense<0.000000e+00> : vector<1xf32>
      %reduce_sum3A_1166 = vector.multi_reduction <add>, %reduce_sum3A, %reduce_sum3A_1165 [1, 2] : vector<1x512x1xf32> to vector<1xf32>
      %reduce_sum3A_1167 = vector.shape_cast %reduce_sum3A_1166 : vector<1xf32> to vector<1x1x1xf32>
      %reduce_sum3A_1168 = vector.extract %reduce_sum3A_1167[0, 0, 0] : f32 from vector<1x1x1xf32>
      %div3A = arith.constant 5.242880e+05 : f32
      %div3A_1169 = arith.divf %reduce_sum3A_1168, %div3A : f32
      %mul3A_1170 = arith.constant 2.500000e-01 : f32
      %mul3A_1171 = arith.mulf %mul3A_1170, %div3A_1169 : f32
      %add3A_1172 = arith.addf %div3A_1169, %mul3A_1171 : f32
      %reshape3A_1173 = vector.broadcast %add3A_1172 : f32 to vector<1x1xf32>
      %swap3A_1174 = arith.constant 0 : index
      %swap3A_1175 = arith.constant 0 : index
      %swap3A_1176 = vector.load %arg6[%swap3A_1174, %swap3A_1175] : memref<1x1xf32, #tpu.memory_space<vmem>>, vector<1x1xf32>
      tpu.vector_store %arg6[%swap3A_1174, %swap3A_1175], %reshape3A_1173 {strides = array<i32>} : memref<1x1xf32, #tpu.memory_space<vmem>>, vector<1x1xf32>,
    } else {
    }
    return
  }
  func.func @transform_0(%arg0: i32) -> (i32, i32) {
    %c0_i32 = arith.constant 0 : i32
    %c0_i32_0 = arith.constant 0 : i32
    return %arg0, %c0_i32 : i32, i32
  }
  func.func @transform_1(%arg0: i32) -> (i32, i32) {
    %c0_i32 = arith.constant 0 : i32
    %c0_i32_0 = arith.constant 0 : i32
    %c0_i32_1 = arith.constant 0 : i32
    return %c0_i32, %c0_i32_0 : i32, i32
  }
  func.func @transform_2(%arg0: i32) -> (i32, i32) {
    %c0_i32 = arith.constant 0 : i32
    %c0_i32_0 = arith.constant 0 : i32
    return %arg0, %c0_i32 : i32, i32
  }
  func.func @transform_3(%arg0: i32) -> (i32, i32) {
    %c0_i32 = arith.constant 0 : i32
    %c0_i32_0 = arith.constant 0 : i32
    %c0_i32_1 = arith.constant 0 : i32
    return %c0_i32, %c0_i32_0 : i32, i32
  }
  func.func @transform_4(%arg0: i32) -> (i32, i32, i32) {
    %c0_i32 = arith.constant 0 : i32
    %c0_i32_0 = arith.constant 0 : i32
    %c0_i32_1 = arith.constant 0 : i32
    return %arg0, %c0_i32, %c0_i32_0 : i32, i32, i32
  }
  func.func @transform_5(%arg0: i32) -> (i32, i32) {
    %c0_i32 = arith.constant 0 : i32
    %c0_i32_0 = arith.constant 0 : i32
    %c0_i32_1 = arith.constant 0 : i32
    return %c0_i32, %c0_i32_0 : i32, i32
  }
}

module attributes {stable_mosaic.version = 14 : i64} {
  func.func @_finish_body(%arg0: memref<16384x32xf32, #tpu.memory_space<vmem>>, %arg1: memref<16384x32xf32, #tpu.memory_space<vmem>>, %arg2: memref<2x8192xf32, #tpu.memory_space<vmem>>, %arg3: memref<16384x32xf32, #tpu.memory_space<vmem>>, %arg4: memref<1x8192xf32, #tpu.memory_space<vmem>>, %arg5: memref<1x1xf32, #tpu.memory_space<vmem>>) attributes {dimension_semantics = [], scalar_prefetch = 0 : i64, scratch_operands = 0 : i64, tpu.core_type = #tpu.core_type<tc>} {
    %get3A = arith.constant 0 : index
    %get3A_0 = arith.constant 0 : index
    %get3A_1 = vector.load %arg0[%get3A, %get3A_0] : memref<16384x32xf32, #tpu.memory_space<vmem>>, vector<16384x32xf32>
    %get3A_2 = arith.constant 0 : index
    %get3A_3 = arith.constant 0 : index
    %get3A_4 = vector.load %arg1[%get3A_2, %get3A_3] : memref<16384x32xf32, #tpu.memory_space<vmem>>, vector<16384x32xf32>
    %sub3A = arith.subf %get3A_1, %get3A_4 : vector<16384x32xf32>
    %add3A = arith.addf %get3A_4, %sub3A : vector<16384x32xf32>
    %swap3A = arith.constant 0 : index
    %swap3A_5 = arith.constant 0 : index
    %swap3A_6 = vector.load %arg3[%swap3A, %swap3A_5] : memref<16384x32xf32, #tpu.memory_space<vmem>>, vector<16384x32xf32>
    tpu.vector_store %arg3[%swap3A, %swap3A_5], %add3A {strides = array<i32>} : memref<16384x32xf32, #tpu.memory_space<vmem>>, vector<16384x32xf32>,
    %get3A_7 = arith.constant 0 : index
    %get3A_8 = arith.constant 0 : index
    %get3A_9 = vector.load %arg2[%get3A_7, %get3A_8] : memref<2x8192xf32, #tpu.memory_space<vmem>>, vector<2x8192xf32>
    %reduce_sum3A = arith.constant dense<0.000000e+00> : vector<8192xf32>
    %reduce_sum3A_10 = vector.multi_reduction <add>, %get3A_9, %reduce_sum3A [0] : vector<2x8192xf32> to vector<8192xf32>
    %broadcast_in_dim3A = vector.shape_cast %reduce_sum3A_10 : vector<8192xf32> to vector<1x8192xf32>
    %swap3A_11 = arith.constant 0 : index
    %swap3A_12 = arith.constant 0 : index
    %swap3A_13 = vector.load %arg4[%swap3A_11, %swap3A_12] : memref<1x8192xf32, #tpu.memory_space<vmem>>, vector<1x8192xf32>
    tpu.vector_store %arg4[%swap3A_11, %swap3A_12], %broadcast_in_dim3A {strides = array<i32>} : memref<1x8192xf32, #tpu.memory_space<vmem>>, vector<1x8192xf32>,
    %div3A = arith.constant 1.638400e+04 : f32
    %div3A_14 = vector.broadcast %div3A : f32 to vector<1x8192xf32>
    %div3A_15 = arith.divf %broadcast_in_dim3A, %div3A_14 : vector<1x8192xf32>
    %add3A_16 = arith.constant 1.000000e-10 : f32
    %add3A_17 = vector.broadcast %add3A_16 : f32 to vector<1x8192xf32>
    %add3A_18 = arith.addf %div3A_15, %add3A_17 : vector<1x8192xf32>
    %log3A = math.log %add3A_18 : vector<1x8192xf32>
    %mul3A = arith.mulf %div3A_15, %log3A : vector<1x8192xf32>
    %reduce_sum3A_19 = vector.shape_cast %mul3A : vector<1x8192xf32> to vector<1x1x8192xf32>
    %reduce_sum3A_20 = arith.constant dense<0.000000e+00> : vector<1xf32>
    %reduce_sum3A_21 = vector.multi_reduction <add>, %reduce_sum3A_19, %reduce_sum3A_20 [1, 2] : vector<1x1x8192xf32> to vector<1xf32>
    %reduce_sum3A_22 = vector.shape_cast %reduce_sum3A_21 : vector<1xf32> to vector<1x1x1xf32>
    %reduce_sum3A_23 = vector.extract %reduce_sum3A_22[0, 0, 0] : f32 from vector<1x1x1xf32>
    %broadcast_in_dim3A_24 = vector.broadcast %reduce_sum3A_23 : f32 to vector<1x1xf32>
    %neg3A = arith.constant 0.000000e+00 : f32
    %neg3A_25 = vector.broadcast %neg3A : f32 to vector<1x1xf32>
    %neg3A_26 = arith.subf %neg3A_25, %broadcast_in_dim3A_24 : vector<1x1xf32>
    %exp3A = math.exp %neg3A_26 : vector<1x1xf32>
    %swap3A_27 = arith.constant 0 : index
    %swap3A_28 = arith.constant 0 : index
    %swap3A_29 = vector.load %arg5[%swap3A_27, %swap3A_28] : memref<1x1xf32, #tpu.memory_space<vmem>>, vector<1x1xf32>
    tpu.vector_store %arg5[%swap3A_27, %swap3A_28], %exp3A {strides = array<i32>} : memref<1x1xf32, #tpu.memory_space<vmem>>, vector<1x1xf32>,
    return
  }
}

</mosaic_0001>

<sc_bundles>
// kernel: kernel.5.cloned.1.call-start
scs
__scs_entry_jumppad:
0x0: {  	(pc) =	sbr.rel $0x88, $3  }
0x1: {  	(tag) =	ssettag $0x0;
	lr =	simm.s32 $0x1  }
0x2: {  	[smem:$0x3F9F] =	sst lr;
	_ =	strace $0xD0000000  }
0x3: {  	_ = 	snop  }
0x4: {  	_ = 	snop  }
0x5: {  	_ = 	snop  }
0x6: {  	_ = 	snop  }
0x7: {  	_ = 	snop  }
__scs_overlays_trampoline_lowered:
0x8: {  	[smem:$0x3FAE] =	sst s0  }
0x9: {  	[smem:$0x3FAF] =	sst s1  }
0xa: {  	[smem:$0x3FB0] =	sst s2  }
0xb: {  	[smem:$0x3FB1] =	sst s3  }
0xc: {  	[smem:$0x3FB2] =	sst s4  }
0xd: {  	[smem:$0x3FB3] =	sst s5  }
0xe: {  	[smem:$0x3FB4] =	sst s6  }
0xf: {  	[smem:$0x3FB5] =	sst s7  }
0x10: {  	[smem:$0x3FB6] =	sst s8  }
0x11: {  	[smem:$0x3FB7] =	sst s9;
	s0 =	simm.s32 @!p0 $0x0  }
0x12: {  	s1 =	sld [smem:$0x3F9D];
	s0 =	simm.s32 @p0 $0x1  }
0x13: {  	[smem:$0x3FB8] =	sst s0;
	s0 =	simm.s32 @!p1 $0x0  }
0x14: {  	s2 =	sld [smem:$0x3F9C];
	s0 =	simm.s32 @p1 $0x1  }
0x15: {  	[smem:$0x3FB9] =	sst s0;
	s0 =	simm.s32 @!p2 $0x0  }
0x16: {  	s3 =	sld [smem:$0x3FDB];
	s0 =	simm.s32 @p2 $0x1  }
0x17: {  	s4 =	simm.s32 $0x1BF5;
	[smem:$0x3FBB] =	sst s0  }
0x18: {  	s0 =	sld [smem:$0x3F9E];
	_ =	swait.ge [sflag:s4], $0x0  }
0x19: {  	s7 =	sld [smem:$0x3F9F]  }
0x1a: {  	s8 =	sadd.s32 $0xFFFFE003, lr  }
0x1b: {  	s9 =	sadd.s32 $0xFFFFFEF7, lr;
	s5 =	simm.s32 $0xFFFFFFFF;
	p2 =	slt.u32 s8, $0xFFFFF086  }
0x1c: {  	p1 =	slt.u32 s9, $0xF7A;
	s5 =	simm.s32 @!p2 $0x0  }
0x1d: {  	s5 =	simm.s32 @p1 $0x1;
	p0 =	seq.s32 s7, s2  }
0x1e: {  	s7 =	smul.u32 @!p0 $0xF7A, s2;
	p2 =	seq.s32 @!p0 s5, $0x0  }
0x1f: {  	s9 =	smul.u32 $0xF7A, s1;
	s8 =	simm.s32 @!p0 $0x1BF5;
	p2 =	por !p2, p0  }
0x20: {  	[sflag:s8] =	ssyncset.s32 @!p0 $0xFFFFF086;
	s6 =	sadd.s32 @!p0 s3, s7;
	s7 =	simm.s32 @!p0 $0x108  }
0x21: {  	s3 =	sadd.s32 s3, s9;
	s6 =	sadd.s32 @!p0 $0x88, s6;
	s7 =	simm.s32 @p2 $0x1082  }
0x22: {  	[simem:s7], [sflag:s8] =	dma.local @!p0 [hbm:s6], $0xF7A  }
0x23: {  	s9 =	sor.u32 $0xD0000000, s2;
	s6 =	simm.s32 $0x108;
	_ =	swait.ge @!p0 [sflag:s8], $0x0  }
0x24: {  	s3 =	sadd.s32 $0x88, s3;
	s6 =	simm.s32 @!p1 $0x1082;
	[sflag:s4] =	ssyncset.s32 $0xFFFFF086  }
0x25: {  	[simem:s6], [sflag:s4] =	dma.local [hbm:s3], $0xF7A  }
0x26: {  	[smem:$0x3F9F] =	sst s1;
	(tag) =	ssettag s2;
	_ =	strace s9  }
0x27: {  	s1 =	sld [smem:$0x3FAF]  }
0x28: {  	s2 =	sld [smem:$0x3FB0]  }
0x29: {  	s4 =	sld [smem:$0x3FB2]  }
0x2a: {  	p0 =	seq.s32 s5, $0x0;
	s5 =	sld [smem:$0x3FB3]  }
0x2b: {  	s6 =	sld [smem:$0x3FB4]  }
0x2c: {  	s7 =	sld [smem:$0x3FB5]  }
0x2d: {  	s3 =	simm.s32 $0x108;
	s8 =	sld [smem:$0x3FB6]  }
0x2e: {  	s3 =	simm.s32 @!p0 $0x1082;
	s9 =	sld [smem:$0x3FB7]  }
0x2f: {  	lr =	sadd.s32 s0, s3;
	s0 =	sld [smem:$0x3FAE]  }
0x30: {  	s3 =	sld [smem:$0x3FB1]  }
0x31: {  	[smem:$0x3FBA] =	sst s10  }
0x32: {  	s10 =	sld [smem:$0x3FB8];
	_ =	sdelay $0x3  }
0x33: {  	p0 =	seq.s32 s10, $0x1;
	s10 =	sld [smem:$0x3FBA];
	_ =	sdelay $0x3  }
0x34: {  	[smem:$0x3FBA] =	sst s10  }
0x35: {  	s10 =	sld [smem:$0x3FB9];
	_ =	sdelay $0x3  }
0x36: {  	p1 =	seq.s32 s10, $0x1;
	s10 =	sld [smem:$0x3FBA];
	_ =	sdelay $0x3  }
0x37: {  	[smem:$0x3FBA] =	sst s10  }
0x38: {  	s10 =	sld [smem:$0x3FBB]  }
0x39: {  	_ = 	snop;
	(pc) =	sbr.ind lr, $3  }
0x3a: {  	_ = 	snop  }
0x3b: {  	_ = 	snop  }
0x3c: {  	p2 =	seq.s32 s10, $0x1;
	s10 =	sld [smem:$0x3FBA]  }
0x3d: {  	_ =	shalt  }
0x3e: {  	_ =	shalt  }
0x3f: {  	_ =	shalt  }
0x40: {  	_ =	shalt  }
0x41: {  	_ =	shalt  }
0x42: {  	_ =	shalt  }
0x43: {  	_ =	shalt  }
0x44: {  	_ =	shalt  }
0x45: {  	_ =	shalt  }
0x46: {  	_ =	shalt  }
0x47: {  	_ =	shalt  }
0x48: {  	_ =	shalt  }
0x49: {  	_ =	shalt  }
0x4a: {  	_ =	shalt  }
0x4b: {  	_ =	shalt  }
0x4c: {  	_ =	shalt  }
0x4d: {  	_ =	shalt  }
0x4e: {  	_ =	shalt  }
0x4f: {  	_ =	shalt  }
0x50: {  	_ =	shalt  }
0x51: {  	_ =	shalt  }
0x52: {  	_ =	shalt  }
0x53: {  	_ =	shalt  }
0x54: {  	_ =	shalt  }
0x55: {  	_ =	shalt  }
0x56: {  	_ =	shalt  }
0x57: {  	_ =	shalt  }
0x58: {  	_ =	shalt  }
0x59: {  	_ =	shalt  }
0x5a: {  	_ =	shalt  }
0x5b: {  	_ =	shalt  }
0x5c: {  	_ =	shalt  }
0x5d: {  	_ =	shalt  }
0x5e: {  	_ =	shalt  }
0x5f: {  	_ =	shalt  }
0x60: {  	_ =	shalt  }
0x61: {  	_ =	shalt  }
0x62: {  	_ =	shalt  }
0x63: {  	_ =	shalt  }
0x64: {  	_ =	shalt  }
0x65: {  	_ =	shalt  }
0x66: {  	_ =	shalt  }
0x67: {  	_ =	shalt  }
0x68: {  	_ =	shalt  }
0x69: {  	_ =	shalt  }
0x6a: {  	_ =	shalt  }
0x6b: {  	_ =	shalt  }
0x6c: {  	_ =	shalt  }
0x6d: {  	_ =	shalt  }
0x6e: {  	_ =	shalt  }
0x6f: {  	_ =	shalt  }
0x70: {  	_ =	shalt  }
0x71: {  	_ =	shalt  }
0x72: {  	_ =	shalt  }
0x73: {  	_ =	shalt  }
0x74: {  	_ =	shalt  }
0x75: {  	_ =	shalt  }
0x76: {  	_ =	shalt  }
0x77: {  	_ =	shalt  }
0x78: {  	_ =	shalt  }
0x79: {  	_ =	shalt  }
0x7a: {  	_ =	shalt  }
0x7b: {  	_ =	shalt  }
0x7c: {  	_ =	shalt  }
0x7d: {  	_ =	shalt  }
0x7e: {  	_ =	shalt  }
0x7f: {  	_ =	shalt  }
0x80: {  	_ =	shalt  }
0x81: {  	_ =	shalt  }
0x82: {  	_ =	shalt  }
0x83: {  	_ =	shalt  }
0x84: {  	_ =	shalt  }
0x85: {  	_ =	shalt  }
0x86: {  	_ =	shalt  }
0x87: {  	_ =	shalt  }
.Lfunc_end0:
.L_simem_size_0:
called_computation_lowered:
.L_overlay_start_0:
0x88: {  	s2 =	sld [smem:$0x3FD9]  }
0x89: {  	s3 =	sld [smem:$0x3FFE];
	_ =	sdelay $0x1  }
0x8a: {  	s1 =	srdreg.scid  }
0x8b: {  	s0 =	sand.u32 $0x1, s1  }
0x8c: {  	s14 =	sshll.u32 s0, $0xA;
	s2 =	sadd.s32 s3, s2  }
0x8d: {  	s2 =	sadd.s32 s2, s14  }
0x8e: {  	[smem:$0x3FC6] =	sst s2  }
0x8f: {  	_ = 	snop  }
0x90: {  	s2 =	sld [smem:$0x3FD0];
	_ =	sdelay $0x2  }
0x91: {  	s15 =	simm.s32 $0xA;
	s4 =	simm.s32 $0x10  }
0x92: {  	[smem:s4], [sflag:s15] =	dma.local [hbm:s2], $0x1  }
0x93: {  	_ =	swait.eq [sflag:s15], $0x1  }
0x94: {  	[sflag:s15] =	ssyncset.done $0x0  }
0x95: {  	s16 =	sld [smem:$0x11];
	[sflag:s15] =	ssyncadd.s32 $0xFFFFFFFF  }
0x96: {  	s17 =	sld [smem:$0x13];
	(tm) =	ssettm $0x1  }
0x97: {  	s18 =	sld [smem:$0x3FFB];
	_ =	sdelay $0x3  }
0x98: {  	_ =	strace s18  }
0x99: {  	s4 =	sld [smem:$0x3FFC];
	_ =	sdelay $0x3  }
0x9a: {  	_ =	strace s4  }
0x9b: {  	s4 =	sld [smem:$0x3FFD];
	_ =	sdelay $0x3  }
0x9c: {  	_ =	strace s4  }
0x9d: {  	_ =	strace $0x8FFFFFFF  }
0x9e: {  	s19 =	sld [smem:$0x3FDB];
	_ =	sdelay $0x1  }
0x9f: {  	s5 =	simm.s32 $_scs_section_size  }
0xa0: {  	s6 =	simm.s32 $_size__tile_overlayer_lowered;
	s7 =	simm.s32 $_tile_overlayer_lowered  }
0xa1: {  	s22 =	simm.s32 $0x1BFF;
	s21 =	sshll.u32 s7, $0x1;
	s4 =	sadd.s32 s5, s19  }
0xa2: {  	s8 =	simm.s32 $0x0;
	s20 =	sshll.u32 s6, $0x1;
	s6 =	sadd.s32 s21, s4  }
0xa3: {  	[timem:s8], [sflag:s22] =	dma.local [hbm:s6], s20  }
0xa4: {  	_ =	swait.ge [sflag:s22], s20  }
0xa5: {  	s5 =	ssub.s32 $0x0, s20;
	[sflag:s22] =	ssyncset.done $0x0  }
0xa6: {  	[sflag:s22] =	ssyncadd.s32 s5;
	_ =	sdelay $0x1  }
0xa7: {  	s23 =	simm.s32 $0x1B8B  }
0xa8: {  	_ =	swait.ge [sflag:s23], $0x1  }
0xa9: {  	[sflag:s23] =	ssyncset.done $0x0  }
0xaa: {  	s25 =	simm.s32 $0x1B8E;
	s24 =	sld [smem:$0x3FFE];
	[sflag:s23] =	ssyncadd.s32 $0xFFFFFFFF  }
0xab: {  	s26 =	simm.s32 $execute0_lowered;
	[smem:$0x3FD2] =	sst s25  }
0xac: {  	s6 =	sshll.u32 s26, $0x1;
	_ =	strace $0x80000046;
	[dreg:$0x1] =	wrdreg $0xFFFFFFFF  }
0xad: {  	s28 =	simm.s32 $_size_execute0_lowered;
	s4 =	sadd.s32 s4, s6;
	[dreg:$0x0] =	wrdreg $0x0  }
0xae: {  	s6 =	sshll.u32 s28, $0x1;
	[dreg:$0x2] =	wrdreg s4  }
0xaf: {  	[dreg:$0x3] =	wrdreg s6  }
0xb0: {  	[dreg:$0x4] =	wrdreg $0xC0  }
0xb1: {  	_ =	task [dreg:s8], $0x5FFFF  }
0xb2: {  	[dreg:$0x1] =	wrdreg $0xFFFFFFFF  }
0xb3: {  	[dreg:$0x0] =	wrdreg $0x60  }
0xb4: {  	[dreg:$0x2] =	wrdreg s17  }
0xb5: {  	[dreg:$0x3] =	wrdreg s24  }
0xb6: {  	[dreg:$0x4] =	wrdreg s16  }
0xb7: {  	[dreg:$0x5] =	wrdreg $0x32800  }
0xb8: {  	[dreg:$0x6] =	wrdreg $0x9  }
0xb9: {  	_ =	task.clear_ibuf [dreg:s8], $0x7FFFF;
	_ =	strace $0x90000046  }
0xba: {  	s29 =	simm.s32 $0x9;
	_ =	strace $0x80000048  }
0xbb: {  	_ =	swait.ge [sflag:s29], $0x1  }
0xbc: {  	[sflag:s29] =	ssyncadd.s32 $0xFFFFFFFF  }
0xbd: {  	_ =	strace $0x90000048  }
0xbe: {  	_ =	sfence  }
0xbf: {  	s30 =	sld [smem:$0x0];
	_ =	sdelay $0x2  }
0xc0: {  	s31 =	sshll.u32 s1, $0xD;
	s1 =	sshrl.u32 s1, $0x2  }
0xc1: {  	s3 =	sand.u32 $0x4000, s31;
	s1 =	sadd.s32 s1, s30  }
0xc2: {  	s0 =	sor.u32 s3, s0;
	s1 =	sshll.u32 s1, $0x11  }
0xc3: {  	s0 =	sor.u32 s1, s0  }
0xc4: {  	s0 =	sadd.s32 $0x8F2B, s0  }
0xc5: {  	[sflag:s0] =	ssyncadd.remote.s32 $0x1  }
0xc6: {  	_ =	sfence.sel $0xFFFF  }
0xc7: {  	[dreg:$0x0] =	wrdreg $0xFFFFFFFF;
	(pc) =	sbr.abs _section_cstart, $3  }
0xc8: {  	[dreg:$0x1] =	wrdreg $0xFFFFFFFF  }
0xc9: {  	_ =	task.clear_ibuf [dreg:s8], $0x2FFFF;
	_ =	strace $0x9FFFFFFF  }
0xca: {  	(tm) =	ssettm $0x7FFFFFFF  }
0xcb: {  	_ =	shalt  }
tec
execute0_lowered:
.L_overlay_start_1:
0x0: {  	(tag) =	ssettag $0x1  }
0x1: {  	s0 =	rddreg [dreg:$0x0]  }
0x2: {  	s4 =	rddreg [dreg:$0x1];
	s1 =	srdreg.scid  }
0x3: {  	s5 =	rddreg [dreg:$0x2];
	s11 =	stileid.u32  }
0x4: {  	s2 =	rddreg [dreg:$0x3];
	s3 =	simm.s32 $0x0;
	s12 =	simm.s32 $0x1280  }
0x5: {  	s13 =	simm.s32 $0x80;
	s14 =	simm.s32 $0x200;
	s15 =	simm.s32 $0x1  }
0x6: {  	s16 =	simm.s32 $0x1200;
	s17 =	simm.s32 $0x100;
	s18 =	simm.s32 $0x180  }
0x7: {  	s20 =	simm.s32 $0x0;
	s6 =	sand.u32 $0x1, s1;
	s1 =	rddreg [dreg:$0x4]  }
0x8: {  	s7 =	sshll.u32 s11, $0xA;
	[smem:$0x7FF] =	sst s3;
	p0 =	sne.s32 s11, $0x0  }
0x9: {  	s11 =	simm.s32 $0x2;
	s8 =	sshll.u32 s6, $0x9;
	_ =	strace $0x80000047  }
0xa: {  	s9 =	sshll.u32 s6, $0xA;
	s6 =	ssub.s32 $0x2, s6;
	s19 =	sshrl.u32 @!p0 s2, $0x3  }
.Ltmp0:
0xb: {  	s7 =	sor.u32 s8, s7;
	s9 =	sadd.s32 s9, s4;
	(pc) =	sbr.rel .LBB2_1-.Ltmp0, $4  }
0xc: {  	s10 =	sshrl.u32 s6, $0x1;
	s8 =	sshrl.u32 s7, $0x3;
	s7 =	sshll.u32 s7, $0x2  }
0xd: {  	s10 =	ssub.s32 s6, s10;
	s9 =	sadd.s32 $0x41200, s9;
	s8 =	sadd.s32 s8, s4  }
0xe: {  	s4 =	sadd.s32 s5, s7;
	s10 =	smax.u32 s10, $0x1;
	s5 =	sadd.s32 $0x40A00, s8  }
0xf: {  	v0 =	vimm.f32 $0.0e+00;
	v1 =	vimm.f32 $1.000000000e+00;
	s6 =	sadd.s32 $0x200, s4;
	s7 =	sadd.s32 $0x400, s4;
	s8 =	sadd.s32 $0x600, s4  }
.LBB2_5:
0x10: {  	[tilespmem:$0x1200] =	vst v1  }
0x11: {  	[tilespmem:$0x1210] =	vst v1  }
0x12: {  	[tilespmem:$0x1220] =	vst v1  }
0x13: {  	[tilespmem:$0x1230] =	vst v1  }
0x14: {  	[tilespmem:$0x1240] =	vst v1  }
0x15: {  	[tilespmem:$0x1250] =	vst v1  }
0x16: {  	[tilespmem:$0x1260] =	vst v1  }
0x17: {  	[tilespmem:$0x1270] =	vst v1  }
0x18: {  	[bflag:$0x0] =	sbarrier.arrive $0xFFFF  }
0x19: {  	[tilespmem:s14], [sflag:$0x1] =	stream.indirect.gather [hbm4b:s0+s13], $0x20, s3, s13, $0xb8;
	[tilespmem:$0x3480] =	vst v63  }
0x1a: {  	_ =	swait.ge [sflag:s15], $0x1000  }
0x1b: {  	[sflag:s15] =	ssyncset.done $0x0  }
0x1c: {  	[sflag:s15] =	ssyncadd.s32 $0xFFFFF000  }
0x1d: {  	[hbm4b:s4+s3] =	stream.linear.scatter [tilespmem:s14], [sflag:$0x2], $0x1000, $0x38;
	[tilespmem:$0x3480] =	vst v63  }
0x1e: {  	_ =	swait.ge [sflag:s11], $0x1000  }
0x1f: {  	[sflag:s11] =	ssyncset.done $0x0  }
0x20: {  	[sflag:s11] =	ssyncadd.s32 $0xFFFFF000  }
0x21: {  	[spmem:s2] =	stream.indirect.scatter.add.f32 [tilespmem:s16], [sflag:$0x2], $0x1, s3, s13, $0xb8;
	[tilespmem:$0x3480] =	vst v63  }
0x22: {  	_ =	swait.ge [sflag:s11], $0x80  }
0x23: {  	[sflag:s11] =	ssyncset.done $0x0  }
0x24: {  	[sflag:s11] =	ssyncadd.s32 $0xFFFFFF80  }
0x25: {  	[tilespmem:s14], [sflag:$0x1] =	stream.indirect.gather [hbm4b:s0+s13], $0x20, s13, s13, $0xb8;
	[tilespmem:$0x3480] =	vst v63  }
0x26: {  	_ =	swait.ge [sflag:s15], $0x1000  }
0x27: {  	[sflag:s15] =	ssyncset.done $0x0  }
0x28: {  	[sflag:s15] =	ssyncadd.s32 $0xFFFFF000  }
0x29: {  	[hbm4b:s6+s3] =	stream.linear.scatter [tilespmem:s14], [sflag:$0x2], $0x1000, $0x38;
	[tilespmem:$0x3480] =	vst v63  }
0x2a: {  	_ =	swait.ge [sflag:s11], $0x1000  }
0x2b: {  	[sflag:s11] =	ssyncset.done $0x0  }
0x2c: {  	[sflag:s11] =	ssyncadd.s32 $0xFFFFF000  }
0x2d: {  	[spmem:s2] =	stream.indirect.scatter.add.f32 [tilespmem:s16], [sflag:$0x2], $0x1, s13, s13, $0xb8;
	[tilespmem:$0x3480] =	vst v63  }
0x2e: {  	_ =	swait.ge [sflag:s11], $0x80  }
0x2f: {  	[sflag:s11] =	ssyncset.done $0x0  }
0x30: {  	[sflag:s11] =	ssyncadd.s32 $0xFFFFFF80  }
0x31: {  	[tilespmem:s14], [sflag:$0x1] =	stream.indirect.gather [hbm4b:s0+s13], $0x20, s17, s13, $0xb8;
	[tilespmem:$0x3480] =	vst v63  }
0x32: {  	_ =	swait.ge [sflag:s15], $0x1000  }
0x33: {  	[sflag:s15] =	ssyncset.done $0x0  }
0x34: {  	[sflag:s15] =	ssyncadd.s32 $0xFFFFF000  }
0x35: {  	[hbm4b:s7+s3] =	stream.linear.scatter [tilespmem:s14], [sflag:$0x2], $0x1000, $0x38;
	[tilespmem:$0x3480] =	vst v63  }
0x36: {  	_ =	swait.ge [sflag:s11], $0x1000  }
0x37: {  	[sflag:s11] =	ssyncset.done $0x0  }
0x38: {  	[sflag:s11] =	ssyncadd.s32 $0xFFFFF000  }
0x39: {  	[spmem:s2] =	stream.indirect.scatter.add.f32 [tilespmem:s16], [sflag:$0x2], $0x1, s17, s13, $0xb8;
	[tilespmem:$0x3480] =	vst v63  }
0x3a: {  	_ =	swait.ge [sflag:s11], $0x80  }
0x3b: {  	[sflag:s11] =	ssyncset.done $0x0  }
0x3c: {  	[sflag:s11] =	ssyncadd.s32 $0xFFFFFF80  }
0x3d: {  	[tilespmem:s14], [sflag:$0x1] =	stream.indirect.gather [hbm4b:s0+s13], $0x20, s18, s13, $0xb8;
	[tilespmem:$0x3480] =	vst v63  }
0x3e: {  	_ =	swait.ge [sflag:s15], $0x1000  }
0x3f: {  	[sflag:s15] =	ssyncset.done $0x0  }
0x40: {  	[sflag:s15] =	ssyncadd.s32 $0xFFFFF000  }
0x41: {  	[hbm4b:s8+s3] =	stream.linear.scatter [tilespmem:s14], [sflag:$0x2], $0x1000, $0x38;
	[tilespmem:$0x3480] =	vst v63  }
0x42: {  	_ =	swait.ge [sflag:s11], $0x1000  }
0x43: {  	[sflag:s11] =	ssyncset.done $0x0  }
0x44: {  	[sflag:s11] =	ssyncadd.s32 $0xFFFFF000  }
0x45: {  	[spmem:s2] =	stream.indirect.scatter.add.f32 [tilespmem:s16], [sflag:$0x2], $0x1, s18, s13, $0xb8;
	[tilespmem:$0x3480] =	vst v63  }
0x46: {  	_ =	swait.ge [sflag:s11], $0x80  }
0x47: {  	[sflag:s11] =	ssyncset.done $0x0  }
0x48: {  	s20 =	sadd.s32 $0x1, s20;
	[sflag:s11] =	ssyncadd.s32 $0xFFFFFF80  }
0x49: {  	s21 =	simm.s32 @!p0 $0x1C02;
	p1 =	sne.s32 s20, s10;
	[bflag:$0x0] =	sbarrier.arrive $0xFFFF  }
0x4a: {  	[hbm:s9], [sflag:s21] =	dma.local @!p0 [spmem:s19], $0x400  }
.Ltmp1:
0x4b: {  	_ = 	snop;
	(pc) =	sbr.rel @!p1 .LBB2_6-.Ltmp1, $4  }
0x4c: {  	s21 =	simm.s32 @!p0 $0x2  }
0x4d: {  	_ =	swait.ge @!p0 [sflag:s21], $0x400  }
0x4e: {  	[sflag:s21] =	ssyncset.done @!p0 $0x0  }
0x4f: {  	[sflag:s21] =	ssyncadd.s32 @!p0 $0xFFFFFC00  }
.LBB2_1:
.Ltmp2:
0x50: {  	(pc) =	sbr.rel @p0 .LBB2_5-.Ltmp2, $4  }
0x51: {  	[tilespmem:s3], [sflag:$0x2] =	stream.linear.gather [hbm4b:s5+s3], $0x200, $0x38;
	[tilespmem:$0x3480] =	vst v63  }
0x52: {  	_ =	swait.ge [sflag:s11], $0x200  }
0x53: {  	[sflag:s11] =	ssyncset.done $0x0  }
0x54: {  	[sflag:s11] =	ssyncadd.s32 $0xFFFFFE00  }
0x55: {  	s21 =	simm.s32 $0x40;
	s22 =	simm.s32 $0x0  }
.LBB2_3:
0x56: {  	p1 =	sne.s32 s21, $0x7FC0;
	[tilespmem:s22+$0x1280] =	vst v0;
	s22 =	smov.u32 s21;
	s21 =	sadd.s32 $0x40, s21  }
.Ltmp3:
0x57: {  	(pc) =	sbr.rel @p1 .LBB2_3-.Ltmp3, $2  }
0x58: {  	_ =	sdelay $0x2  }
0x59: {  	s22 =	sshra.s32 s22, $0x2  }
.Ltmp4:
0x5a: {  	[tilespmem:s22+$0x1280] =	vst v0;
	(pc) =	sbr.rel .LBB2_5-.Ltmp4, $4  }
0x5b: {  	[spmem:s2] =	stream.linear.scatter [tilespmem:s12], [sflag:$0x2], $0x2000, $0x38;
	[tilespmem:$0x3480] =	vst v63  }
0x5c: {  	_ =	swait.ge [sflag:s11], $0x2000  }
0x5d: {  	[sflag:s11] =	ssyncset.done $0x0  }
0x5e: {  	[sflag:s11] =	ssyncadd.s32 $0xFFFFE000  }
.LBB2_6:
0x5f: {  	_ =	sfence.sel $0x180000  }
0x60: {  	[bflag:$0x0] =	sbarrier.arrive $0xFFFF  }
0x61: {  	_ =	strace $0x90000047  }
0x62: {  	s0 =	sadd.s32 @!p0 $0x100000, s1;
	[bflag:$0x2] =	sbarrier.arrive $0xFFFF  }
0x63: {  	[sflag:s0] =	ssyncadd.tile.s32 @!p0 $0x1;
	_ =	shalt  }
.Lfunc_end2:
_tile_overlayer_lowered:
.L_overlay_start_2:
0x64: {  	(tag) =	ssettag $0x2  }
0x65: {  	s0 =	rddreg [dreg:$0x0];
	s2 =	stileid.u32  }
0x66: {  	s1 =	rddreg [dreg:$0x1];
	p0 =	sne.s32 s2, $0x0  }
0x67: {  	s3 =	rddreg [dreg:$0x2];
	[bflag:$0x3] =	sbarrier.arrive $0xFFFF;
	s2 =	simm.s32 @!p0 $0x1C02  }
0x68: {  	[timem:s3], [sflag:s2] =	dma.local @!p0 [hbm:s0], s1  }
0x69: {  	s0 =	simm.s32 @!p0 $0x2  }
0x6a: {  	_ =	swait.ge @!p0 [sflag:s0], s1  }
0x6b: {  	s1 =	ssub.s32 @!p0 $0x0, s1;
	[sflag:s0] =	ssyncset.done @!p0 $0x0  }
0x6c: {  	[sflag:s0] =	ssyncadd.s32 @!p0 s1  }
0x6d: {  	[bflag:$0x3] =	sbarrier.arrive $0xFFFF  }
0x6e: {  	_ =	shalt  }

</sc_bundles>
